<compile_context>
chip_gen: v7x
topology: tpu7x:2x2x1
jax: 0.10.2.dev20260603
libtpu: 0.0.44.dev20260713+nightly
codegen_flags: <defaults>
</compile_context>

<pallas_src>
import functools

import jax
import jax.numpy as jnp
from jax import lax
from jax.experimental import pallas as pl
from jax.experimental.pallas import tpu as pltpu
from jax.experimental.pallas import tpu_sc as plsc

_N = 100000
_V = 119
_D = 128
_NW = 32
_CHUNK = 128
_FULL = 24
_NCH = _FULL + 1
_NBUF = 7
_LOOKAHEAD = 4
_STAGE = _FULL * _CHUNK


def _make_kernel():
    mesh = plsc.VectorSubcoreMesh(core_axis_name="c", subcore_axis_name="s")

    @functools.partial(
        pl.kernel,
        mesh=mesh,
        out_type=jax.ShapeDtypeStruct((_N, _D), jnp.float32),
        scratch_types=[
            pltpu.VMEM_SHARED((_V, _D), jnp.float32),
            pltpu.VMEM((_STAGE + _CHUNK,), jnp.int32),
            pltpu.VMEM((_NBUF, _CHUNK, _D), jnp.float32),
        ]
        + [pltpu.SemaphoreType.DMA] * (2 * _NBUF + 1),
    )
    def emb_kernel(z_hbm, table_hbm, out_hbm, table_sh, idx_v, rows_v, *sems):
        sg = sems[:_NBUF]
        sw = sems[_NBUF:2 * _NBUF]
        si = sems[2 * _NBUF]
        wid = lax.axis_index("s") * 2 + lax.axis_index("c")
        base = (wid * (_N // _NW)) // 8 * 8
        nxt = jnp.where(wid == _NW - 1, _N, ((wid + 1) * (_N // _NW)) // 8 * 8)
        tail = nxt - _CHUNK

        idx_main = pltpu.make_async_copy(
            z_hbm.at[pl.ds(base, _STAGE)], idx_v.at[pl.ds(0, _STAGE)], si)
        idx_tail = pltpu.make_async_copy(
            z_hbm.at[pl.ds(tail, _CHUNK)], idx_v.at[pl.ds(_STAGE, _CHUNK)], si)
        idx_main.start()
        idx_tail.start()

        @pl.when(lax.axis_index("s") == 0)
        def _():
            pltpu.sync_copy(table_hbm, table_sh)

        idx_main.wait()
        idx_tail.wait()
        plsc.subcore_barrier()

        def out_off(c):
            return jnp.where(c == _FULL, tail, base + c * _CHUNK)

        def gather(c, b):
            return pltpu.make_async_copy(
                table_sh.at[idx_v.at[pl.ds(c * _CHUNK, _CHUNK)]],
                rows_v.at[b],
                sg[b],
            )

        def write(c, b):
            return pltpu.make_async_copy(
                rows_v.at[b],
                out_hbm.at[pl.ds(out_off(c), _CHUNK)],
                sw[b],
            )

        def chunk_step(c, b):
            gather(c, b).wait()
            write(c, b).start()

            @pl.when(c >= _LOOKAHEAD)
            def _():
                write(c - _LOOKAHEAD, (b - _LOOKAHEAD) % _NBUF).wait()

            @pl.when(c + _NBUF - _LOOKAHEAD < _NCH)
            def _():
                gather(c + _NBUF - _LOOKAHEAD,
                       (b + _NBUF - _LOOKAHEAD) % _NBUF).start()

        for c in range(_NBUF - _LOOKAHEAD):
            gather(c, c).start()

        def body(i, carry):
            for b in range(_NBUF):
                c = _NBUF * i + b

                @pl.when(c < _NCH)
                def _(c=c, b=b):
                    chunk_step(c, b)

            return carry

        lax.fori_loop(0, (_NCH + _NBUF - 1) // _NBUF, body, 0)
        for c in range(_NCH - _LOOKAHEAD, _NCH):
            write(c, c % _NBUF).wait()

    return emb_kernel


_emb = _make_kernel()


def kernel(Z, embeddings):
    return _emb(Z.astype(jnp.int32), embeddings)

# --- scband reference (transcript-rebuilt; emitter-appended) ---
"""Pipeline reference for scband-per-element-embedding-73916387164192 (READ-ONLY COPY).

The authoritative reference and input builder live on the scoring server;
editing this copy changes nothing except your own understanding.
"""

import jax, jax.numpy as jnp
import numpy as np

MAX_Z = 119
LENGTH = 128
N_ATOMS = 100000

def setup_inputs(seed: int = 0) -> dict:
    key = jax.random.key(seed)
    k1, k2 = jax.random.split(key)
    Z = jax.random.randint(k1, (N_ATOMS,), 0, MAX_Z, dtype=jnp.int64 if jax.config.jax_enable_x64 else jnp.int32)
    embeddings = jax.random.normal(k2, (MAX_Z, LENGTH), dtype=jnp.float32)
    return {"Z": Z, "embeddings": embeddings}

def reference(Z, embeddings):
    # PerElementEmbedding.forward: self._embeddings[Z]
    return jnp.take(embeddings, Z, axis=0)

if __name__ == "__main__":
    import jax
    _d = setup_inputs()
    print(jax.jit(kernel)(*tuple(_d.values())))

</pallas_src>

<mosaic_0001>
#map = affine_map<(d0, d1) -> (0)>
#map1 = affine_map<(d0, d1) -> (0, 0)>
module attributes {stable_mosaic.version = 14 : i64} {
  func.func @emb_kernel(%arg0: i32, %arg1: i32, %arg2: memref<100000xi32, #tpu.memory_space<hbm>>, %arg3: memref<119x128xf32, #tpu.memory_space<hbm>>, %arg4: memref<100000x128xf32, #tpu.memory_space<hbm>>, %arg5: memref<119x128xf32, #tpu.memory_space<vmem_shared>>, %arg6: memref<3200xi32, #tpu.memory_space<vmem>>, %arg7: memref<7x128x128xf32, #tpu.memory_space<vmem>>, %arg8: memref<!tpu.dma_semaphore, #tpu.memory_space<semaphore_mem>>, %arg9: memref<!tpu.dma_semaphore, #tpu.memory_space<semaphore_mem>>, %arg10: memref<!tpu.dma_semaphore, #tpu.memory_space<semaphore_mem>>, %arg11: memref<!tpu.dma_semaphore, #tpu.memory_space<semaphore_mem>>, %arg12: memref<!tpu.dma_semaphore, #tpu.memory_space<semaphore_mem>>, %arg13: memref<!tpu.dma_semaphore, #tpu.memory_space<semaphore_mem>>, %arg14: memref<!tpu.dma_semaphore, #tpu.memory_space<semaphore_mem>>, %arg15: memref<!tpu.dma_semaphore, #tpu.memory_space<semaphore_mem>>, %arg16: memref<!tpu.dma_semaphore, #tpu.memory_space<semaphore_mem>>, %arg17: memref<!tpu.dma_semaphore, #tpu.memory_space<semaphore_mem>>, %arg18: memref<!tpu.dma_semaphore, #tpu.memory_space<semaphore_mem>>, %arg19: memref<!tpu.dma_semaphore, #tpu.memory_space<semaphore_mem>>, %arg20: memref<!tpu.dma_semaphore, #tpu.memory_space<semaphore_mem>>, %arg21: memref<!tpu.dma_semaphore, #tpu.memory_space<semaphore_mem>>, %arg22: memref<!tpu.dma_semaphore, #tpu.memory_space<semaphore_mem>>) attributes {dimension_semantics = [#tpu.dimension_semantics<core_parallel>, #tpu.dimension_semantics<subcore_parallel>], iteration_bounds = array<i64: 2, 16>, scalar_prefetch = 0 : i64, scratch_operands = 18 : i64, tpu.core_type = #tpu.core_type<sc_vector_subcore>, window_params = [{transform_indices = #map}, {transform_indices = #map1}, {transform_indices = #map1}]} {
    %mul3A = arith.constant 2 : i32
    %mul3A_0 = arith.muli %arg1, %mul3A : i32
    %add3A = arith.addi %mul3A_0, %arg0 : i32
    %mul3A_1 = arith.constant 3125 : i32
    %mul3A_2 = arith.muli %add3A, %mul3A_1 : i32
    %jit3A = arith.constant 8 : i32
    %div3A = arith.divsi %mul3A_2, %jit3A : i32
    %sign3A = arith.constant 0 : i32
    %sign3A_3 = arith.cmpi sgt, %mul3A_2, %sign3A : i32
    %sign3A_4 = arith.extui %sign3A_3 : i1 to i32
    %sign3A_5 = arith.constant 0 : i32
    %sign3A_6 = arith.cmpi slt, %mul3A_2, %sign3A_5 : i32
    %sign3A_7 = arith.extui %sign3A_6 : i1 to i32
    %sign3A_8 = arith.subi %sign3A_4, %sign3A_7 : i32
    %sign3A_9 = arith.constant 0 : i32
    %sign3A_10 = arith.cmpi sgt, %jit3A, %sign3A_9 : i32
    %sign3A_11 = arith.extui %sign3A_10 : i1 to i32
    %sign3A_12 = arith.constant 0 : i32
    %sign3A_13 = arith.cmpi slt, %jit3A, %sign3A_12 : i32
    %sign3A_14 = arith.extui %sign3A_13 : i1 to i32
    %sign3A_15 = arith.subi %sign3A_11, %sign3A_14 : i32
    %ne3A = arith.cmpi ne, %sign3A_8, %sign3A_15 : i32
    %rem3A = arith.remsi %mul3A_2, %jit3A : i32
    %ne3A_16 = arith.constant 0 : i32
    %ne3A_17 = arith.cmpi ne, %rem3A, %ne3A_16 : i32
    %and3A = arith.andi %ne3A, %ne3A_17 : i1
    %sub3A = arith.constant 1 : i32
    %sub3A_18 = arith.subi %div3A, %sub3A : i32
    %select_n3A = arith.select %and3A, %sub3A_18, %div3A : i32
    %mul3A_19 = arith.constant 8 : i32
    %mul3A_20 = arith.muli %select_n3A, %mul3A_19 : i32
    %eq3A = arith.constant 31 : i32
    %eq3A_21 = arith.cmpi eq, %add3A, %eq3A : i32
    %add3A_22 = arith.constant 1 : i32
    %add3A_23 = arith.addi %add3A, %add3A_22 : i32
    %mul3A_24 = arith.constant 3125 : i32
    %mul3A_25 = arith.muli %add3A_23, %mul3A_24 : i32
    %jit3A_26 = arith.constant 8 : i32
    %div3A_27 = arith.divsi %mul3A_25, %jit3A_26 : i32
    %sign3A_28 = arith.constant 0 : i32
    %sign3A_29 = arith.cmpi sgt, %mul3A_25, %sign3A_28 : i32
    %sign3A_30 = arith.extui %sign3A_29 : i1 to i32
    %sign3A_31 = arith.constant 0 : i32
    %sign3A_32 = arith.cmpi slt, %mul3A_25, %sign3A_31 : i32
    %sign3A_33 = arith.extui %sign3A_32 : i1 to i32
    %sign3A_34 = arith.subi %sign3A_30, %sign3A_33 : i32
    %sign3A_35 = arith.constant 0 : i32
    %sign3A_36 = arith.cmpi sgt, %jit3A_26, %sign3A_35 : i32
    %sign3A_37 = arith.extui %sign3A_36 : i1 to i32
    %sign3A_38 = arith.constant 0 : i32
    %sign3A_39 = arith.cmpi slt, %jit3A_26, %sign3A_38 : i32
    %sign3A_40 = arith.extui %sign3A_39 : i1 to i32
    %sign3A_41 = arith.subi %sign3A_37, %sign3A_40 : i32
    %ne3A_42 = arith.cmpi ne, %sign3A_34, %sign3A_41 : i32
    %rem3A_43 = arith.remsi %mul3A_25, %jit3A_26 : i32
    %ne3A_44 = arith.constant 0 : i32
    %ne3A_45 = arith.cmpi ne, %rem3A_43, %ne3A_44 : i32
    %and3A_46 = arith.andi %ne3A_42, %ne3A_45 : i1
    %sub3A_47 = arith.constant 1 : i32
    %sub3A_48 = arith.subi %div3A_27, %sub3A_47 : i32
    %select_n3A_49 = arith.select %and3A_46, %sub3A_48, %div3A_27 : i32
    %mul3A_50 = arith.constant 8 : i32
    %mul3A_51 = arith.muli %select_n3A_49, %mul3A_50 : i32
    %jit3A_52 = arith.constant 100000 : i32
    %select_n3A_53 = arith.select %eq3A_21, %jit3A_52, %mul3A_51 : i32
    %sub3A_54 = arith.constant 128 : i32
    %sub3A_55 = arith.subi %select_n3A_53, %sub3A_54 : i32
    %dma_start3A = arith.constant 0 : i32
    %dma_start3A_56 = tpu.memref_slice %arg6[%dma_start3A] : memref<3200xi32, #tpu.memory_space<vmem>> -> memref<3072xi32, #tpu.memory_space<vmem>>
    %dma_start3A_57 = tpu.memref_slice %arg2[%mul3A_20] : memref<100000xi32, #tpu.memory_space<hbm>> -> memref<3072xi32, #tpu.memory_space<hbm>>
    %dma_start3A_58 = arith.constant 0 : i32
    %dma_start3A_59 = tpu.memref_slice %arg6[%dma_start3A_58] : memref<3200xi32, #tpu.memory_space<vmem>> -> memref<3072xi32, #tpu.memory_space<vmem>>
    %dma_start3A_60 = tpu.memref_slice %arg2[%mul3A_20] : memref<100000xi32, #tpu.memory_space<hbm>> -> memref<3072xi32, #tpu.memory_space<hbm>>
    tpu.enqueue_dma source(%dma_start3A_60 : memref<3072xi32, #tpu.memory_space<hbm>>) target(%dma_start3A_59 : memref<3072xi32, #tpu.memory_space<vmem>>) target_semaphore(%arg22 : memref<!tpu.dma_semaphore, #tpu.memory_space<semaphore_mem>>)
    %dma_start3A_61 = arith.constant 3072 : i32
    %dma_start3A_62 = tpu.memref_slice %arg6[%dma_start3A_61] : memref<3200xi32, #tpu.memory_space<vmem>> -> memref<128xi32, #tpu.memory_space<vmem>>
    %dma_start3A_63 = tpu.memref_slice %arg2[%sub3A_55] : memref<100000xi32, #tpu.memory_space<hbm>> -> memref<128xi32, #tpu.memory_space<hbm>>
    %dma_start3A_64 = arith.constant 3072 : i32
    %dma_start3A_65 = tpu.memref_slice %arg6[%dma_start3A_64] : memref<3200xi32, #tpu.memory_space<vmem>> -> memref<128xi32, #tpu.memory_space<vmem>>
    %dma_start3A_66 = tpu.memref_slice %arg2[%sub3A_55] : memref<100000xi32, #tpu.memory_space<hbm>> -> memref<128xi32, #tpu.memory_space<hbm>>
    tpu.enqueue_dma source(%dma_start3A_66 : memref<128xi32, #tpu.memory_space<hbm>>) target(%dma_start3A_65 : memref<128xi32, #tpu.memory_space<vmem>>) target_semaphore(%arg22 : memref<!tpu.dma_semaphore, #tpu.memory_space<semaphore_mem>>)
    %eq3A_67 = arith.constant 0 : i32
    %eq3A_68 = arith.cmpi eq, %arg1, %eq3A_67 : i32
    %convert_element_type3A = arith.extui %eq3A_68 : i1 to i32
    %cond3A = arith.constant 0 : i32
    %cond3A_69 = arith.cmpi ne, %convert_element_type3A, %cond3A : i32
    scf.if %cond3A_69 {
      "tpu.region"() ({
        %run_scoped3A = tpu.sem_alloc : memref<!tpu.dma_semaphore, #tpu.memory_space<semaphore_mem>>
        tpu.enqueue_dma source(%arg3 : memref<119x128xf32, #tpu.memory_space<hbm>>) target(%arg5 : memref<119x128xf32, #tpu.memory_space<vmem_shared>>) target_semaphore(%run_scoped3A : memref<!tpu.dma_semaphore, #tpu.memory_space<semaphore_mem>>)
        tpu.wait_dma2 semaphore(%run_scoped3A : memref<!tpu.dma_semaphore, #tpu.memory_space<semaphore_mem>>) src(%arg3 : memref<119x128xf32, #tpu.memory_space<hbm>>) dst(%arg5 : memref<119x128xf32, #tpu.memory_space<vmem_shared>>)
        tpu.yield
      }) : () -> ()
    } else {
    }
    %dma_wait3A = arith.constant 0 : i32
    %dma_wait3A_70 = tpu.memref_slice %arg6[%dma_wait3A] : memref<3200xi32, #tpu.memory_space<vmem>> -> memref<3072xi32, #tpu.memory_space<vmem>>
    %dma_wait3A_71 = tpu.memref_slice %arg2[%mul3A_20] : memref<100000xi32, #tpu.memory_space<hbm>> -> memref<3072xi32, #tpu.memory_space<hbm>>
    %dma_wait3A_72 = arith.constant 0 : i32
    %dma_wait3A_73 = tpu.memref_slice %arg6[%dma_wait3A_72] : memref<3200xi32, #tpu.memory_space<vmem>> -> memref<3072xi32, #tpu.memory_space<vmem>>
    %dma_wait3A_74 = tpu.memref_slice %arg2[%mul3A_20] : memref<100000xi32, #tpu.memory_space<hbm>> -> memref<3072xi32, #tpu.memory_space<hbm>>
    tpu.wait_dma2 semaphore(%arg22 : memref<!tpu.dma_semaphore, #tpu.memory_space<semaphore_mem>>) src(%dma_wait3A_74 : memref<3072xi32, #tpu.memory_space<hbm>>) dst(%dma_wait3A_73 : memref<3072xi32, #tpu.memory_space<vmem>>)
    %dma_wait3A_75 = arith.constant 3072 : i32
    %dma_wait3A_76 = tpu.memref_slice %arg6[%dma_wait3A_75] : memref<3200xi32, #tpu.memory_space<vmem>> -> memref<128xi32, #tpu.memory_space<vmem>>
    %dma_wait3A_77 = tpu.memref_slice %arg2[%sub3A_55] : memref<100000xi32, #tpu.memory_space<hbm>> -> memref<128xi32, #tpu.memory_space<hbm>>
    %dma_wait3A_78 = arith.constant 3072 : i32
    %dma_wait3A_79 = tpu.memref_slice %arg6[%dma_wait3A_78] : memref<3200xi32, #tpu.memory_space<vmem>> -> memref<128xi32, #tpu.memory_space<vmem>>
    %dma_wait3A_80 = tpu.memref_slice %arg2[%sub3A_55] : memref<100000xi32, #tpu.memory_space<hbm>> -> memref<128xi32, #tpu.memory_space<hbm>>
    tpu.wait_dma2 semaphore(%arg22 : memref<!tpu.dma_semaphore, #tpu.memory_space<semaphore_mem>>) src(%dma_wait3A_80 : memref<128xi32, #tpu.memory_space<hbm>>) dst(%dma_wait3A_79 : memref<128xi32, #tpu.memory_space<vmem>>)
    %barrier3A = arith.constant 0 : index
    tpu.barrier barrier_id(%barrier3A)
    %dma_start3A_81 = arith.constant 0 : i32
    %dma_start3A_82 = arith.constant 0 : i32
    %dma_start3A_83 = arith.constant 0 : i32
    %dma_start3A_84 = tpu.memref_slice %arg7[%dma_start3A_81, %dma_start3A_82, %dma_start3A_83] : memref<7x128x128xf32, #tpu.memory_space<vmem>> -> memref<1x128x128xf32, #tpu.memory_space<vmem>>
    %dma_start3A_85 = tpu.memref_squeeze %dma_start3A_84 : memref<1x128x128xf32, #tpu.memory_space<vmem>> -> memref<128x128xf32, #tpu.memory_space<vmem>>
    %dma_start3A_86 = arith.constant 0 : i32
    %dma_start3A_87 = tpu.memref_slice %arg6[%dma_start3A_86] : memref<3200xi32, #tpu.memory_space<vmem>> -> memref<128xi32, #tpu.memory_space<vmem>>
    %dma_start3A_88 = arith.constant 0 : i32
    %dma_start3A_89 = arith.constant 0 : i32
    %dma_start3A_90 = tpu.memref_slice %arg5[%dma_start3A_88, %dma_start3A_89] : memref<119x128xf32, #tpu.memory_space<vmem_shared>> -> memref<119x128xf32, #tpu.memory_space<vmem_shared>>
    tpu.enqueue_indirect_dma source(%dma_start3A_90 : memref<119x128xf32, #tpu.memory_space<vmem_shared>>) target(%dma_start3A_85 : memref<128x128xf32, #tpu.memory_space<vmem>>) offsets(%dma_start3A_87 : memref<128xi32, #tpu.memory_space<vmem>>) semaphore(%arg8 : memref<!tpu.dma_semaphore, #tpu.memory_space<semaphore_mem>>)
    %dma_start3A_91 = arith.constant 1 : i32
    %dma_start3A_92 = arith.constant 0 : i32
    %dma_start3A_93 = arith.constant 0 : i32
    %dma_start3A_94 = tpu.memref_slice %arg7[%dma_start3A_91, %dma_start3A_92, %dma_start3A_93] : memref<7x128x128xf32, #tpu.memory_space<vmem>> -> memref<1x128x128xf32, #tpu.memory_space<vmem>>
    %dma_start3A_95 = tpu.memref_squeeze %dma_start3A_94 : memref<1x128x128xf32, #tpu.memory_space<vmem>> -> memref<128x128xf32, #tpu.memory_space<vmem>>
    %dma_start3A_96 = arith.constant 128 : i32
    %dma_start3A_97 = tpu.memref_slice %arg6[%dma_start3A_96] : memref<3200xi32, #tpu.memory_space<vmem>> -> memref<128xi32, #tpu.memory_space<vmem>>
    %dma_start3A_98 = arith.constant 0 : i32
    %dma_start3A_99 = arith.constant 0 : i32
    %dma_start3A_100 = tpu.memref_slice %arg5[%dma_start3A_98, %dma_start3A_99] : memref<119x128xf32, #tpu.memory_space<vmem_shared>> -> memref<119x128xf32, #tpu.memory_space<vmem_shared>>
    tpu.enqueue_indirect_dma source(%dma_start3A_100 : memref<119x128xf32, #tpu.memory_space<vmem_shared>>) target(%dma_start3A_95 : memref<128x128xf32, #tpu.memory_space<vmem>>) offsets(%dma_start3A_97 : memref<128xi32, #tpu.memory_space<vmem>>) semaphore(%arg9 : memref<!tpu.dma_semaphore, #tpu.memory_space<semaphore_mem>>)
    %dma_start3A_101 = arith.constant 2 : i32
    %dma_start3A_102 = arith.constant 0 : i32
    %dma_start3A_103 = arith.constant 0 : i32
    %dma_start3A_104 = tpu.memref_slice %arg7[%dma_start3A_101, %dma_start3A_102, %dma_start3A_103] : memref<7x128x128xf32, #tpu.memory_space<vmem>> -> memref<1x128x128xf32, #tpu.memory_space<vmem>>
    %dma_start3A_105 = tpu.memref_squeeze %dma_start3A_104 : memref<1x128x128xf32, #tpu.memory_space<vmem>> -> memref<128x128xf32, #tpu.memory_space<vmem>>
    %dma_start3A_106 = arith.constant 256 : i32
    %dma_start3A_107 = tpu.memref_slice %arg6[%dma_start3A_106] : memref<3200xi32, #tpu.memory_space<vmem>> -> memref<128xi32, #tpu.memory_space<vmem>>
    %dma_start3A_108 = arith.constant 0 : i32
    %dma_start3A_109 = arith.constant 0 : i32
    %dma_start3A_110 = tpu.memref_slice %arg5[%dma_start3A_108, %dma_start3A_109] : memref<119x128xf32, #tpu.memory_space<vmem_shared>> -> memref<119x128xf32, #tpu.memory_space<vmem_shared>>
    tpu.enqueue_indirect_dma source(%dma_start3A_110 : memref<119x128xf32, #tpu.memory_space<vmem_shared>>) target(%dma_start3A_105 : memref<128x128xf32, #tpu.memory_space<vmem>>) offsets(%dma_start3A_107 : memref<128xi32, #tpu.memory_space<vmem>>) semaphore(%arg10 : memref<!tpu.dma_semaphore, #tpu.memory_space<semaphore_mem>>)
    %scan3A = arith.constant 0 : i32
    %scan3A_111 = arith.constant 0 : i32
    %scan3A_112 = arith.constant 4 : i32
    %scan3A_113 = arith.addi %scan3A_111, %scan3A_112 : i32
    %scan3A_114 = arith.constant 1 : i32
    scf.for %scan3A_184 = %scan3A_111 to %scan3A_113 step %scan3A_114  : i32 {
      %mul3A_185 = arith.constant 7 : i32
      %mul3A_186 = arith.muli %mul3A_185, %scan3A_184 : i32
      %add3A_187 = arith.constant 0 : i32
      %add3A_188 = arith.addi %mul3A_186, %add3A_187 : i32
      %lt3A = arith.constant 25 : i32
      %lt3A_189 = arith.cmpi slt, %add3A_188, %lt3A : i32
      %convert_element_type3A_190 = arith.extui %lt3A_189 : i1 to i32
      %cond3A_191 = arith.constant 0 : i32
      %cond3A_192 = arith.cmpi ne, %convert_element_type3A_190, %cond3A_191 : i32
      scf.if %cond3A_192 {
        %mul3A_247 = arith.constant 128 : i32
        %mul3A_248 = arith.muli %add3A_188, %mul3A_247 : i32
        %dma_wait3A_249 = arith.constant 0 : i32
        %dma_wait3A_250 = arith.constant 0 : i32
        %dma_wait3A_251 = arith.constant 0 : i32
        %dma_wait3A_252 = tpu.memref_slice %arg7[%dma_wait3A_249, %dma_wait3A_250, %dma_wait3A_251] : memref<7x128x128xf32, #tpu.memory_space<vmem>> -> memref<1x128x128xf32, #tpu.memory_space<vmem>>
        %dma_wait3A_253 = tpu.memref_squeeze %dma_wait3A_252 : memref<1x128x128xf32, #tpu.memory_space<vmem>> -> memref<128x128xf32, #tpu.memory_space<vmem>>
        %dma_wait3A_254 = tpu.memref_slice %arg6[%mul3A_248] : memref<3200xi32, #tpu.memory_space<vmem>> -> memref<128xi32, #tpu.memory_space<vmem>>
        %dma_wait3A_255 = arith.constant 0 : i32
        %dma_wait3A_256 = arith.constant 0 : i32
        %dma_wait3A_257 = tpu.memref_slice %arg5[%dma_wait3A_255, %dma_wait3A_256] : memref<119x128xf32, #tpu.memory_space<vmem_shared>> -> memref<119x128xf32, #tpu.memory_space<vmem_shared>>
        tpu.wait_indirect_dma semaphore(%arg8 : memref<!tpu.dma_semaphore, #tpu.memory_space<semaphore_mem>>) src(%dma_wait3A_257 : memref<119x128xf32, #tpu.memory_space<vmem_shared>>) dst(%dma_wait3A_253 : memref<128x128xf32, #tpu.memory_space<vmem>>)
        %eq3A_258 = arith.constant 24 : i32
        %eq3A_259 = arith.cmpi eq, %add3A_188, %eq3A_258 : i32
        %mul3A_260 = arith.constant 128 : i32
        %mul3A_261 = arith.muli %add3A_188, %mul3A_260 : i32
        %add3A_262 = arith.addi %mul3A_20, %mul3A_261 : i32
        %select_n3A_263 = arith.select %eq3A_259, %sub3A_55, %add3A_262 : i32
        %dma_start3A_264 = arith.constant 0 : i32
        %dma_start3A_265 = arith.constant 0 : i32
        %dma_start3A_266 = arith.constant 0 : i32
        %dma_start3A_267 = tpu.memref_slice %arg7[%dma_start3A_264, %dma_start3A_265, %dma_start3A_266] : memref<7x128x128xf32, #tpu.memory_space<vmem>> -> memref<1x128x128xf32, #tpu.memory_space<vmem>>
        %dma_start3A_268 = tpu.memref_squeeze %dma_start3A_267 : memref<1x128x128xf32, #tpu.memory_space<vmem>> -> memref<128x128xf32, #tpu.memory_space<vmem>>
        %dma_start3A_269 = arith.constant 0 : i32
        %dma_start3A_270 = tpu.memref_slice %arg4[%select_n3A_263, %dma_start3A_269] : memref<100000x128xf32, #tpu.memory_space<hbm>> -> memref<128x128xf32, #tpu.memory_space<hbm>>
        %dma_start3A_271 = arith.constant 0 : i32
        %dma_start3A_272 = tpu.memref_slice %arg4[%select_n3A_263, %dma_start3A_271] : memref<100000x128xf32, #tpu.memory_space<hbm>> -> memref<128x128xf32, #tpu.memory_space<hbm>>
        %dma_start3A_273 = arith.constant 0 : i32
        %dma_start3A_274 = arith.constant 0 : i32
        %dma_start3A_275 = tpu.memref_slice %arg7[%dma_start3A_264, %dma_start3A_273, %dma_start3A_274] : memref<7x128x128xf32, #tpu.memory_space<vmem>> -> memref<1x128x128xf32, #tpu.memory_space<vmem>>
        %dma_start3A_276 = tpu.memref_squeeze %dma_start3A_275 : memref<1x128x128xf32, #tpu.memory_space<vmem>> -> memref<128x128xf32, #tpu.memory_space<vmem>>
        tpu.enqueue_dma source(%dma_start3A_276 : memref<128x128xf32, #tpu.memory_space<vmem>>) target(%dma_start3A_272 : memref<128x128xf32, #tpu.memory_space<hbm>>) target_semaphore(%arg15 : memref<!tpu.dma_semaphore, #tpu.memory_space<semaphore_mem>>)
        %ge3A = arith.constant 4 : i32
        %ge3A_277 = arith.cmpi sge, %add3A_188, %ge3A : i32
        %convert_element_type3A_278 = arith.extui %ge3A_277 : i1 to i32
        %cond3A_279 = arith.constant 0 : i32
        %cond3A_280 = arith.cmpi ne, %convert_element_type3A_278, %cond3A_279 : i32
        scf.if %cond3A_280 {
          %sub3A_290 = arith.constant 4 : i32
          %sub3A_291 = arith.subi %add3A_188, %sub3A_290 : i32
          %eq3A_292 = arith.constant 24 : i32
          %eq3A_293 = arith.cmpi eq, %sub3A_291, %eq3A_292 : i32
          %mul3A_294 = arith.constant 128 : i32
          %mul3A_295 = arith.muli %sub3A_291, %mul3A_294 : i32
          %add3A_296 = arith.addi %mul3A_20, %mul3A_295 : i32
          %select_n3A_297 = arith.select %eq3A_293, %sub3A_55, %add3A_296 : i32
          %dma_wait3A_298 = arith.constant 3 : i32
          %dma_wait3A_299 = arith.constant 0 : i32
          %dma_wait3A_300 = arith.constant 0 : i32
          %dma_wait3A_301 = tpu.memref_slice %arg7[%dma_wait3A_298, %dma_wait3A_299, %dma_wait3A_300] : memref<7x128x128xf32, #tpu.memory_space<vmem>> -> memref<1x128x128xf32, #tpu.memory_space<vmem>>
          %dma_wait3A_302 = tpu.memref_squeeze %dma_wait3A_301 : memref<1x128x128xf32, #tpu.memory_space<vmem>> -> memref<128x128xf32, #tpu.memory_space<vmem>>
          %dma_wait3A_303 = arith.constant 0 : i32
          %dma_wait3A_304 = tpu.memref_slice %arg4[%select_n3A_297, %dma_wait3A_303] : memref<100000x128xf32, #tpu.memory_space<hbm>> -> memref<128x128xf32, #tpu.memory_space<hbm>>
          %dma_wait3A_305 = arith.constant 0 : i32
          %dma_wait3A_306 = tpu.memref_slice %arg4[%select_n3A_297, %dma_wait3A_305] : memref<100000x128xf32, #tpu.memory_space<hbm>> -> memref<128x128xf32, #tpu.memory_space<hbm>>
          %dma_wait3A_307 = arith.constant 0 : i32
          %dma_wait3A_308 = arith.constant 0 : i32
          %dma_wait3A_309 = tpu.memref_slice %arg7[%dma_wait3A_298, %dma_wait3A_307, %dma_wait3A_308] : memref<7x128x128xf32, #tpu.memory_space<vmem>> -> memref<1x128x128xf32, #tpu.memory_space<vmem>>
          %dma_wait3A_310 = tpu.memref_squeeze %dma_wait3A_309 : memref<1x128x128xf32, #tpu.memory_space<vmem>> -> memref<128x128xf32, #tpu.memory_space<vmem>>
          tpu.wait_dma2 semaphore(%arg18 : memref<!tpu.dma_semaphore, #tpu.memory_space<semaphore_mem>>) src(%dma_wait3A_310 : memref<128x128xf32, #tpu.memory_space<vmem>>) dst(%dma_wait3A_306 : memref<128x128xf32, #tpu.memory_space<hbm>>)
        } else {
        }
        %add3A_281 = arith.constant 7 : i32
        %add3A_282 = arith.addi %add3A_188, %add3A_281 : i32
        %sub3A_283 = arith.constant 4 : i32
        %sub3A_284 = arith.subi %add3A_282, %sub3A_283 : i32
        %lt3A_285 = arith.constant 25 : i32
        %lt3A_286 = arith.cmpi slt, %sub3A_284, %lt3A_285 : i32
        %convert_element_type3A_287 = arith.extui %lt3A_286 : i1 to i32
        %cond3A_288 = arith.constant 0 : i32
        %cond3A_289 = arith.cmpi ne, %convert_element_type3A_287, %cond3A_288 : i32
        scf.if %cond3A_289 {
          %add3A_290 = arith.constant 7 : i32
          %add3A_291 = arith.addi %add3A_188, %add3A_290 : i32
          %sub3A_292 = arith.constant 4 : i32
          %sub3A_293 = arith.subi %add3A_291, %sub3A_292 : i32
          %mul3A_294 = arith.constant 128 : i32
          %mul3A_295 = arith.muli %sub3A_293, %mul3A_294 : i32
          %dma_start3A_296 = arith.constant 3 : i32
          %dma_start3A_297 = arith.constant 0 : i32
          %dma_start3A_298 = arith.constant 0 : i32
          %dma_start3A_299 = tpu.memref_slice %arg7[%dma_start3A_296, %dma_start3A_297, %dma_start3A_298] : memref<7x128x128xf32, #tpu.memory_space<vmem>> -> memref<1x128x128xf32, #tpu.memory_space<vmem>>
          %dma_start3A_300 = tpu.memref_squeeze %dma_start3A_299 : memref<1x128x128xf32, #tpu.memory_space<vmem>> -> memref<128x128xf32, #tpu.memory_space<vmem>>
          %dma_start3A_301 = tpu.memref_slice %arg6[%mul3A_295] : memref<3200xi32, #tpu.memory_space<vmem>> -> memref<128xi32, #tpu.memory_space<vmem>>
          %dma_start3A_302 = arith.constant 0 : i32
          %dma_start3A_303 = arith.constant 0 : i32
          %dma_start3A_304 = tpu.memref_slice %arg5[%dma_start3A_302, %dma_start3A_303] : memref<119x128xf32, #tpu.memory_space<vmem_shared>> -> memref<119x128xf32, #tpu.memory_space<vmem_shared>>
          tpu.enqueue_indirect_dma source(%dma_start3A_304 : memref<119x128xf32, #tpu.memory_space<vmem_shared>>) target(%dma_start3A_300 : memref<128x128xf32, #tpu.memory_space<vmem>>) offsets(%dma_start3A_301 : memref<128xi32, #tpu.memory_space<vmem>>) semaphore(%arg11 : memref<!tpu.dma_semaphore, #tpu.memory_space<semaphore_mem>>)
        } else {
        }
      } else {
      }
      %mul3A_193 = arith.constant 7 : i32
      %mul3A_194 = arith.muli %mul3A_193, %scan3A_184 : i32
      %add3A_195 = arith.constant 1 : i32
      %add3A_196 = arith.addi %mul3A_194, %add3A_195 : i32
      %lt3A_197 = arith.constant 25 : i32
      %lt3A_198 = arith.cmpi slt, %add3A_196, %lt3A_197 : i32
      %convert_element_type3A_199 = arith.extui %lt3A_198 : i1 to i32
      %cond3A_200 = arith.constant 0 : i32
      %cond3A_201 = arith.cmpi ne, %convert_element_type3A_199, %cond3A_200 : i32
      scf.if %cond3A_201 {
        %mul3A_247 = arith.constant 128 : i32
        %mul3A_248 = arith.muli %add3A_196, %mul3A_247 : i32
        %dma_wait3A_249 = arith.constant 1 : i32
        %dma_wait3A_250 = arith.constant 0 : i32
        %dma_wait3A_251 = arith.constant 0 : i32
        %dma_wait3A_252 = tpu.memref_slice %arg7[%dma_wait3A_249, %dma_wait3A_250, %dma_wait3A_251] : memref<7x128x128xf32, #tpu.memory_space<vmem>> -> memref<1x128x128xf32, #tpu.memory_space<vmem>>
        %dma_wait3A_253 = tpu.memref_squeeze %dma_wait3A_252 : memref<1x128x128xf32, #tpu.memory_space<vmem>> -> memref<128x128xf32, #tpu.memory_space<vmem>>
        %dma_wait3A_254 = tpu.memref_slice %arg6[%mul3A_248] : memref<3200xi32, #tpu.memory_space<vmem>> -> memref<128xi32, #tpu.memory_space<vmem>>
        %dma_wait3A_255 = arith.constant 0 : i32
        %dma_wait3A_256 = arith.constant 0 : i32
        %dma_wait3A_257 = tpu.memref_slice %arg5[%dma_wait3A_255, %dma_wait3A_256] : memref<119x128xf32, #tpu.memory_space<vmem_shared>> -> memref<119x128xf32, #tpu.memory_space<vmem_shared>>
        tpu.wait_indirect_dma semaphore(%arg9 : memref<!tpu.dma_semaphore, #tpu.memory_space<semaphore_mem>>) src(%dma_wait3A_257 : memref<119x128xf32, #tpu.memory_space<vmem_shared>>) dst(%dma_wait3A_253 : memref<128x128xf32, #tpu.memory_space<vmem>>)
        %eq3A_258 = arith.constant 24 : i32
        %eq3A_259 = arith.cmpi eq, %add3A_196, %eq3A_258 : i32
        %mul3A_260 = arith.constant 128 : i32
        %mul3A_261 = arith.muli %add3A_196, %mul3A_260 : i32
        %add3A_262 = arith.addi %mul3A_20, %mul3A_261 : i32
        %select_n3A_263 = arith.select %eq3A_259, %sub3A_55, %add3A_262 : i32
        %dma_start3A_264 = arith.constant 1 : i32
        %dma_start3A_265 = arith.constant 0 : i32
        %dma_start3A_266 = arith.constant 0 : i32
        %dma_start3A_267 = tpu.memref_slice %arg7[%dma_start3A_264, %dma_start3A_265, %dma_start3A_266] : memref<7x128x128xf32, #tpu.memory_space<vmem>> -> memref<1x128x128xf32, #tpu.memory_space<vmem>>
        %dma_start3A_268 = tpu.memref_squeeze %dma_start3A_267 : memref<1x128x128xf32, #tpu.memory_space<vmem>> -> memref<128x128xf32, #tpu.memory_space<vmem>>
        %dma_start3A_269 = arith.constant 0 : i32
        %dma_start3A_270 = tpu.memref_slice %arg4[%select_n3A_263, %dma_start3A_269] : memref<100000x128xf32, #tpu.memory_space<hbm>> -> memref<128x128xf32, #tpu.memory_space<hbm>>
        %dma_start3A_271 = arith.constant 0 : i32
        %dma_start3A_272 = tpu.memref_slice %arg4[%select_n3A_263, %dma_start3A_271] : memref<100000x128xf32, #tpu.memory_space<hbm>> -> memref<128x128xf32, #tpu.memory_space<hbm>>
        %dma_start3A_273 = arith.constant 0 : i32
        %dma_start3A_274 = arith.constant 0 : i32
        %dma_start3A_275 = tpu.memref_slice %arg7[%dma_start3A_264, %dma_start3A_273, %dma_start3A_274] : memref<7x128x128xf32, #tpu.memory_space<vmem>> -> memref<1x128x128xf32, #tpu.memory_space<vmem>>
        %dma_start3A_276 = tpu.memref_squeeze %dma_start3A_275 : memref<1x128x128xf32, #tpu.memory_space<vmem>> -> memref<128x128xf32, #tpu.memory_space<vmem>>
        tpu.enqueue_dma source(%dma_start3A_276 : memref<128x128xf32, #tpu.memory_space<vmem>>) target(%dma_start3A_272 : memref<128x128xf32, #tpu.memory_space<hbm>>) target_semaphore(%arg16 : memref<!tpu.dma_semaphore, #tpu.memory_space<semaphore_mem>>)
        %ge3A = arith.constant 4 : i32
        %ge3A_277 = arith.cmpi sge, %add3A_196, %ge3A : i32
        %convert_element_type3A_278 = arith.extui %ge3A_277 : i1 to i32
        %cond3A_279 = arith.constant 0 : i32
        %cond3A_280 = arith.cmpi ne, %convert_element_type3A_278, %cond3A_279 : i32
        scf.if %cond3A_280 {
          %sub3A_290 = arith.constant 4 : i32
          %sub3A_291 = arith.subi %add3A_196, %sub3A_290 : i32
          %eq3A_292 = arith.constant 24 : i32
          %eq3A_293 = arith.cmpi eq, %sub3A_291, %eq3A_292 : i32
          %mul3A_294 = arith.constant 128 : i32
          %mul3A_295 = arith.muli %sub3A_291, %mul3A_294 : i32
          %add3A_296 = arith.addi %mul3A_20, %mul3A_295 : i32
          %select_n3A_297 = arith.select %eq3A_293, %sub3A_55, %add3A_296 : i32
          %dma_wait3A_298 = arith.constant 4 : i32
          %dma_wait3A_299 = arith.constant 0 : i32
          %dma_wait3A_300 = arith.constant 0 : i32
          %dma_wait3A_301 = tpu.memref_slice %arg7[%dma_wait3A_298, %dma_wait3A_299, %dma_wait3A_300] : memref<7x128x128xf32, #tpu.memory_space<vmem>> -> memref<1x128x128xf32, #tpu.memory_space<vmem>>
          %dma_wait3A_302 = tpu.memref_squeeze %dma_wait3A_301 : memref<1x128x128xf32, #tpu.memory_space<vmem>> -> memref<128x128xf32, #tpu.memory_space<vmem>>
          %dma_wait3A_303 = arith.constant 0 : i32
          %dma_wait3A_304 = tpu.memref_slice %arg4[%select_n3A_297, %dma_wait3A_303] : memref<100000x128xf32, #tpu.memory_space<hbm>> -> memref<128x128xf32, #tpu.memory_space<hbm>>
          %dma_wait3A_305 = arith.constant 0 : i32
          %dma_wait3A_306 = tpu.memref_slice %arg4[%select_n3A_297, %dma_wait3A_305] : memref<100000x128xf32, #tpu.memory_space<hbm>> -> memref<128x128xf32, #tpu.memory_space<hbm>>
          %dma_wait3A_307 = arith.constant 0 : i32
          %dma_wait3A_308 = arith.constant 0 : i32
          %dma_wait3A_309 = tpu.memref_slice %arg7[%dma_wait3A_298, %dma_wait3A_307, %dma_wait3A_308] : memref<7x128x128xf32, #tpu.memory_space<vmem>> -> memref<1x128x128xf32, #tpu.memory_space<vmem>>
          %dma_wait3A_310 = tpu.memref_squeeze %dma_wait3A_309 : memref<1x128x128xf32, #tpu.memory_space<vmem>> -> memref<128x128xf32, #tpu.memory_space<vmem>>
          tpu.wait_dma2 semaphore(%arg19 : memref<!tpu.dma_semaphore, #tpu.memory_space<semaphore_mem>>) src(%dma_wait3A_310 : memref<128x128xf32, #tpu.memory_space<vmem>>) dst(%dma_wait3A_306 : memref<128x128xf32, #tpu.memory_space<hbm>>)
        } else {
        }
        %add3A_281 = arith.constant 7 : i32
        %add3A_282 = arith.addi %add3A_196, %add3A_281 : i32
        %sub3A_283 = arith.constant 4 : i32
        %sub3A_284 = arith.subi %add3A_282, %sub3A_283 : i32
        %lt3A_285 = arith.constant 25 : i32
        %lt3A_286 = arith.cmpi slt, %sub3A_284, %lt3A_285 : i32
        %convert_element_type3A_287 = arith.extui %lt3A_286 : i1 to i32
        %cond3A_288 = arith.constant 0 : i32
        %cond3A_289 = arith.cmpi ne, %convert_element_type3A_287, %cond3A_288 : i32
        scf.if %cond3A_289 {
          %add3A_290 = arith.constant 7 : i32
          %add3A_291 = arith.addi %add3A_196, %add3A_290 : i32
          %sub3A_292 = arith.constant 4 : i32
          %sub3A_293 = arith.subi %add3A_291, %sub3A_292 : i32
          %mul3A_294 = arith.constant 128 : i32
          %mul3A_295 = arith.muli %sub3A_293, %mul3A_294 : i32
          %dma_start3A_296 = arith.constant 4 : i32
          %dma_start3A_297 = arith.constant 0 : i32
          %dma_start3A_298 = arith.constant 0 : i32
          %dma_start3A_299 = tpu.memref_slice %arg7[%dma_start3A_296, %dma_start3A_297, %dma_start3A_298] : memref<7x128x128xf32, #tpu.memory_space<vmem>> -> memref<1x128x128xf32, #tpu.memory_space<vmem>>
          %dma_start3A_300 = tpu.memref_squeeze %dma_start3A_299 : memref<1x128x128xf32, #tpu.memory_space<vmem>> -> memref<128x128xf32, #tpu.memory_space<vmem>>
          %dma_start3A_301 = tpu.memref_slice %arg6[%mul3A_295] : memref<3200xi32, #tpu.memory_space<vmem>> -> memref<128xi32, #tpu.memory_space<vmem>>
          %dma_start3A_302 = arith.constant 0 : i32
          %dma_start3A_303 = arith.constant 0 : i32
          %dma_start3A_304 = tpu.memref_slice %arg5[%dma_start3A_302, %dma_start3A_303] : memref<119x128xf32, #tpu.memory_space<vmem_shared>> -> memref<119x128xf32, #tpu.memory_space<vmem_shared>>
          tpu.enqueue_indirect_dma source(%dma_start3A_304 : memref<119x128xf32, #tpu.memory_space<vmem_shared>>) target(%dma_start3A_300 : memref<128x128xf32, #tpu.memory_space<vmem>>) offsets(%dma_start3A_301 : memref<128xi32, #tpu.memory_space<vmem>>) semaphore(%arg12 : memref<!tpu.dma_semaphore, #tpu.memory_space<semaphore_mem>>)
        } else {
        }
      } else {
      }
      %mul3A_202 = arith.constant 7 : i32
      %mul3A_203 = arith.muli %mul3A_202, %scan3A_184 : i32
      %add3A_204 = arith.constant 2 : i32
      %add3A_205 = arith.addi %mul3A_203, %add3A_204 : i32
      %lt3A_206 = arith.constant 25 : i32
      %lt3A_207 = arith.cmpi slt, %add3A_205, %lt3A_206 : i32
      %convert_element_type3A_208 = arith.extui %lt3A_207 : i1 to i32
      %cond3A_209 = arith.constant 0 : i32
      %cond3A_210 = arith.cmpi ne, %convert_element_type3A_208, %cond3A_209 : i32
      scf.if %cond3A_210 {
        %mul3A_247 = arith.constant 128 : i32
        %mul3A_248 = arith.muli %add3A_205, %mul3A_247 : i32
        %dma_wait3A_249 = arith.constant 2 : i32
        %dma_wait3A_250 = arith.constant 0 : i32
        %dma_wait3A_251 = arith.constant 0 : i32
        %dma_wait3A_252 = tpu.memref_slice %arg7[%dma_wait3A_249, %dma_wait3A_250, %dma_wait3A_251] : memref<7x128x128xf32, #tpu.memory_space<vmem>> -> memref<1x128x128xf32, #tpu.memory_space<vmem>>
        %dma_wait3A_253 = tpu.memref_squeeze %dma_wait3A_252 : memref<1x128x128xf32, #tpu.memory_space<vmem>> -> memref<128x128xf32, #tpu.memory_space<vmem>>
        %dma_wait3A_254 = tpu.memref_slice %arg6[%mul3A_248] : memref<3200xi32, #tpu.memory_space<vmem>> -> memref<128xi32, #tpu.memory_space<vmem>>
        %dma_wait3A_255 = arith.constant 0 : i32
        %dma_wait3A_256 = arith.constant 0 : i32
        %dma_wait3A_257 = tpu.memref_slice %arg5[%dma_wait3A_255, %dma_wait3A_256] : memref<119x128xf32, #tpu.memory_space<vmem_shared>> -> memref<119x128xf32, #tpu.memory_space<vmem_shared>>
        tpu.wait_indirect_dma semaphore(%arg10 : memref<!tpu.dma_semaphore, #tpu.memory_space<semaphore_mem>>) src(%dma_wait3A_257 : memref<119x128xf32, #tpu.memory_space<vmem_shared>>) dst(%dma_wait3A_253 : memref<128x128xf32, #tpu.memory_space<vmem>>)
        %eq3A_258 = arith.constant 24 : i32
        %eq3A_259 = arith.cmpi eq, %add3A_205, %eq3A_258 : i32
        %mul3A_260 = arith.constant 128 : i32
        %mul3A_261 = arith.muli %add3A_205, %mul3A_260 : i32
        %add3A_262 = arith.addi %mul3A_20, %mul3A_261 : i32
        %select_n3A_263 = arith.select %eq3A_259, %sub3A_55, %add3A_262 : i32
        %dma_start3A_264 = arith.constant 2 : i32
        %dma_start3A_265 = arith.constant 0 : i32
        %dma_start3A_266 = arith.constant 0 : i32
        %dma_start3A_267 = tpu.memref_slice %arg7[%dma_start3A_264, %dma_start3A_265, %dma_start3A_266] : memref<7x128x128xf32, #tpu.memory_space<vmem>> -> memref<1x128x128xf32, #tpu.memory_space<vmem>>
        %dma_start3A_268 = tpu.memref_squeeze %dma_start3A_267 : memref<1x128x128xf32, #tpu.memory_space<vmem>> -> memref<128x128xf32, #tpu.memory_space<vmem>>
        %dma_start3A_269 = arith.constant 0 : i32
        %dma_start3A_270 = tpu.memref_slice %arg4[%select_n3A_263, %dma_start3A_269] : memref<100000x128xf32, #tpu.memory_space<hbm>> -> memref<128x128xf32, #tpu.memory_space<hbm>>
        %dma_start3A_271 = arith.constant 0 : i32
        %dma_start3A_272 = tpu.memref_slice %arg4[%select_n3A_263, %dma_start3A_271] : memref<100000x128xf32, #tpu.memory_space<hbm>> -> memref<128x128xf32, #tpu.memory_space<hbm>>
        %dma_start3A_273 = arith.constant 0 : i32
        %dma_start3A_274 = arith.constant 0 : i32
        %dma_start3A_275 = tpu.memref_slice %arg7[%dma_start3A_264, %dma_start3A_273, %dma_start3A_274] : memref<7x128x128xf32, #tpu.memory_space<vmem>> -> memref<1x128x128xf32, #tpu.memory_space<vmem>>
        %dma_start3A_276 = tpu.memref_squeeze %dma_start3A_275 : memref<1x128x128xf32, #tpu.memory_space<vmem>> -> memref<128x128xf32, #tpu.memory_space<vmem>>
        tpu.enqueue_dma source(%dma_start3A_276 : memref<128x128xf32, #tpu.memory_space<vmem>>) target(%dma_start3A_272 : memref<128x128xf32, #tpu.memory_space<hbm>>) target_semaphore(%arg17 : memref<!tpu.dma_semaphore, #tpu.memory_space<semaphore_mem>>)
        %ge3A = arith.constant 4 : i32
        %ge3A_277 = arith.cmpi sge, %add3A_205, %ge3A : i32
        %convert_element_type3A_278 = arith.extui %ge3A_277 : i1 to i32
        %cond3A_279 = arith.constant 0 : i32
        %cond3A_280 = arith.cmpi ne, %convert_element_type3A_278, %cond3A_279 : i32
        scf.if %cond3A_280 {
          %sub3A_290 = arith.constant 4 : i32
          %sub3A_291 = arith.subi %add3A_205, %sub3A_290 : i32
          %eq3A_292 = arith.constant 24 : i32
          %eq3A_293 = arith.cmpi eq, %sub3A_291, %eq3A_292 : i32
          %mul3A_294 = arith.constant 128 : i32
          %mul3A_295 = arith.muli %sub3A_291, %mul3A_294 : i32
          %add3A_296 = arith.addi %mul3A_20, %mul3A_295 : i32
          %select_n3A_297 = arith.select %eq3A_293, %sub3A_55, %add3A_296 : i32
          %dma_wait3A_298 = arith.constant 5 : i32
          %dma_wait3A_299 = arith.constant 0 : i32
          %dma_wait3A_300 = arith.constant 0 : i32
          %dma_wait3A_301 = tpu.memref_slice %arg7[%dma_wait3A_298, %dma_wait3A_299, %dma_wait3A_300] : memref<7x128x128xf32, #tpu.memory_space<vmem>> -> memref<1x128x128xf32, #tpu.memory_space<vmem>>
          %dma_wait3A_302 = tpu.memref_squeeze %dma_wait3A_301 : memref<1x128x128xf32, #tpu.memory_space<vmem>> -> memref<128x128xf32, #tpu.memory_space<vmem>>
          %dma_wait3A_303 = arith.constant 0 : i32
          %dma_wait3A_304 = tpu.memref_slice %arg4[%select_n3A_297, %dma_wait3A_303] : memref<100000x128xf32, #tpu.memory_space<hbm>> -> memref<128x128xf32, #tpu.memory_space<hbm>>
          %dma_wait3A_305 = arith.constant 0 : i32
          %dma_wait3A_306 = tpu.memref_slice %arg4[%select_n3A_297, %dma_wait3A_305] : memref<100000x128xf32, #tpu.memory_space<hbm>> -> memref<128x128xf32, #tpu.memory_space<hbm>>
          %dma_wait3A_307 = arith.constant 0 : i32
          %dma_wait3A_308 = arith.constant 0 : i32
          %dma_wait3A_309 = tpu.memref_slice %arg7[%dma_wait3A_298, %dma_wait3A_307, %dma_wait3A_308] : memref<7x128x128xf32, #tpu.memory_space<vmem>> -> memref<1x128x128xf32, #tpu.memory_space<vmem>>
          %dma_wait3A_310 = tpu.memref_squeeze %dma_wait3A_309 : memref<1x128x128xf32, #tpu.memory_space<vmem>> -> memref<128x128xf32, #tpu.memory_space<vmem>>
          tpu.wait_dma2 semaphore(%arg20 : memref<!tpu.dma_semaphore, #tpu.memory_space<semaphore_mem>>) src(%dma_wait3A_310 : memref<128x128xf32, #tpu.memory_space<vmem>>) dst(%dma_wait3A_306 : memref<128x128xf32, #tpu.memory_space<hbm>>)
        } else {
        }
        %add3A_281 = arith.constant 7 : i32
        %add3A_282 = arith.addi %add3A_205, %add3A_281 : i32
        %sub3A_283 = arith.constant 4 : i32
        %sub3A_284 = arith.subi %add3A_282, %sub3A_283 : i32
        %lt3A_285 = arith.constant 25 : i32
        %lt3A_286 = arith.cmpi slt, %sub3A_284, %lt3A_285 : i32
        %convert_element_type3A_287 = arith.extui %lt3A_286 : i1 to i32
        %cond3A_288 = arith.constant 0 : i32
        %cond3A_289 = arith.cmpi ne, %convert_element_type3A_287, %cond3A_288 : i32
        scf.if %cond3A_289 {
          %add3A_290 = arith.constant 7 : i32
          %add3A_291 = arith.addi %add3A_205, %add3A_290 : i32
          %sub3A_292 = arith.constant 4 : i32
          %sub3A_293 = arith.subi %add3A_291, %sub3A_292 : i32
          %mul3A_294 = arith.constant 128 : i32
          %mul3A_295 = arith.muli %sub3A_293, %mul3A_294 : i32
          %dma_start3A_296 = arith.constant 5 : i32
          %dma_start3A_297 = arith.constant 0 : i32
          %dma_start3A_298 = arith.constant 0 : i32
          %dma_start3A_299 = tpu.memref_slice %arg7[%dma_start3A_296, %dma_start3A_297, %dma_start3A_298] : memref<7x128x128xf32, #tpu.memory_space<vmem>> -> memref<1x128x128xf32, #tpu.memory_space<vmem>>
          %dma_start3A_300 = tpu.memref_squeeze %dma_start3A_299 : memref<1x128x128xf32, #tpu.memory_space<vmem>> -> memref<128x128xf32, #tpu.memory_space<vmem>>
          %dma_start3A_301 = tpu.memref_slice %arg6[%mul3A_295] : memref<3200xi32, #tpu.memory_space<vmem>> -> memref<128xi32, #tpu.memory_space<vmem>>
          %dma_start3A_302 = arith.constant 0 : i32
          %dma_start3A_303 = arith.constant 0 : i32
          %dma_start3A_304 = tpu.memref_slice %arg5[%dma_start3A_302, %dma_start3A_303] : memref<119x128xf32, #tpu.memory_space<vmem_shared>> -> memref<119x128xf32, #tpu.memory_space<vmem_shared>>
          tpu.enqueue_indirect_dma source(%dma_start3A_304 : memref<119x128xf32, #tpu.memory_space<vmem_shared>>) target(%dma_start3A_300 : memref<128x128xf32, #tpu.memory_space<vmem>>) offsets(%dma_start3A_301 : memref<128xi32, #tpu.memory_space<vmem>>) semaphore(%arg13 : memref<!tpu.dma_semaphore, #tpu.memory_space<semaphore_mem>>)
        } else {
        }
      } else {
      }
      %mul3A_211 = arith.constant 7 : i32
      %mul3A_212 = arith.muli %mul3A_211, %scan3A_184 : i32
      %add3A_213 = arith.constant 3 : i32
      %add3A_214 = arith.addi %mul3A_212, %add3A_213 : i32
      %lt3A_215 = arith.constant 25 : i32
      %lt3A_216 = arith.cmpi slt, %add3A_214, %lt3A_215 : i32
      %convert_element_type3A_217 = arith.extui %lt3A_216 : i1 to i32
      %cond3A_218 = arith.constant 0 : i32
      %cond3A_219 = arith.cmpi ne, %convert_element_type3A_217, %cond3A_218 : i32
      scf.if %cond3A_219 {
        %mul3A_247 = arith.constant 128 : i32
        %mul3A_248 = arith.muli %add3A_214, %mul3A_247 : i32
        %dma_wait3A_249 = arith.constant 3 : i32
        %dma_wait3A_250 = arith.constant 0 : i32
        %dma_wait3A_251 = arith.constant 0 : i32
        %dma_wait3A_252 = tpu.memref_slice %arg7[%dma_wait3A_249, %dma_wait3A_250, %dma_wait3A_251] : memref<7x128x128xf32, #tpu.memory_space<vmem>> -> memref<1x128x128xf32, #tpu.memory_space<vmem>>
        %dma_wait3A_253 = tpu.memref_squeeze %dma_wait3A_252 : memref<1x128x128xf32, #tpu.memory_space<vmem>> -> memref<128x128xf32, #tpu.memory_space<vmem>>
        %dma_wait3A_254 = tpu.memref_slice %arg6[%mul3A_248] : memref<3200xi32, #tpu.memory_space<vmem>> -> memref<128xi32, #tpu.memory_space<vmem>>
        %dma_wait3A_255 = arith.constant 0 : i32
        %dma_wait3A_256 = arith.constant 0 : i32
        %dma_wait3A_257 = tpu.memref_slice %arg5[%dma_wait3A_255, %dma_wait3A_256] : memref<119x128xf32, #tpu.memory_space<vmem_shared>> -> memref<119x128xf32, #tpu.memory_space<vmem_shared>>
        tpu.wait_indirect_dma semaphore(%arg11 : memref<!tpu.dma_semaphore, #tpu.memory_space<semaphore_mem>>) src(%dma_wait3A_257 : memref<119x128xf32, #tpu.memory_space<vmem_shared>>) dst(%dma_wait3A_253 : memref<128x128xf32, #tpu.memory_space<vmem>>)
        %eq3A_258 = arith.constant 24 : i32
        %eq3A_259 = arith.cmpi eq, %add3A_214, %eq3A_258 : i32
        %mul3A_260 = arith.constant 128 : i32
        %mul3A_261 = arith.muli %add3A_214, %mul3A_260 : i32
        %add3A_262 = arith.addi %mul3A_20, %mul3A_261 : i32
        %select_n3A_263 = arith.select %eq3A_259, %sub3A_55, %add3A_262 : i32
        %dma_start3A_264 = arith.constant 3 : i32
        %dma_start3A_265 = arith.constant 0 : i32
        %dma_start3A_266 = arith.constant 0 : i32
        %dma_start3A_267 = tpu.memref_slice %arg7[%dma_start3A_264, %dma_start3A_265, %dma_start3A_266] : memref<7x128x128xf32, #tpu.memory_space<vmem>> -> memref<1x128x128xf32, #tpu.memory_space<vmem>>
        %dma_start3A_268 = tpu.memref_squeeze %dma_start3A_267 : memref<1x128x128xf32, #tpu.memory_space<vmem>> -> memref<128x128xf32, #tpu.memory_space<vmem>>
        %dma_start3A_269 = arith.constant 0 : i32
        %dma_start3A_270 = tpu.memref_slice %arg4[%select_n3A_263, %dma_start3A_269] : memref<100000x128xf32, #tpu.memory_space<hbm>> -> memref<128x128xf32, #tpu.memory_space<hbm>>
        %dma_start3A_271 = arith.constant 0 : i32
        %dma_start3A_272 = tpu.memref_slice %arg4[%select_n3A_263, %dma_start3A_271] : memref<100000x128xf32, #tpu.memory_space<hbm>> -> memref<128x128xf32, #tpu.memory_space<hbm>>
        %dma_start3A_273 = arith.constant 0 : i32
        %dma_start3A_274 = arith.constant 0 : i32
        %dma_start3A_275 = tpu.memref_slice %arg7[%dma_start3A_264, %dma_start3A_273, %dma_start3A_274] : memref<7x128x128xf32, #tpu.memory_space<vmem>> -> memref<1x128x128xf32, #tpu.memory_space<vmem>>
        %dma_start3A_276 = tpu.memref_squeeze %dma_start3A_275 : memref<1x128x128xf32, #tpu.memory_space<vmem>> -> memref<128x128xf32, #tpu.memory_space<vmem>>
        tpu.enqueue_dma source(%dma_start3A_276 : memref<128x128xf32, #tpu.memory_space<vmem>>) target(%dma_start3A_272 : memref<128x128xf32, #tpu.memory_space<hbm>>) target_semaphore(%arg18 : memref<!tpu.dma_semaphore, #tpu.memory_space<semaphore_mem>>)
        %ge3A = arith.constant 4 : i32
        %ge3A_277 = arith.cmpi sge, %add3A_214, %ge3A : i32
        %convert_element_type3A_278 = arith.extui %ge3A_277 : i1 to i32
        %cond3A_279 = arith.constant 0 : i32
        %cond3A_280 = arith.cmpi ne, %convert_element_type3A_278, %cond3A_279 : i32
        scf.if %cond3A_280 {
          %sub3A_290 = arith.constant 4 : i32
          %sub3A_291 = arith.subi %add3A_214, %sub3A_290 : i32
          %eq3A_292 = arith.constant 24 : i32
          %eq3A_293 = arith.cmpi eq, %sub3A_291, %eq3A_292 : i32
          %mul3A_294 = arith.constant 128 : i32
          %mul3A_295 = arith.muli %sub3A_291, %mul3A_294 : i32
          %add3A_296 = arith.addi %mul3A_20, %mul3A_295 : i32
          %select_n3A_297 = arith.select %eq3A_293, %sub3A_55, %add3A_296 : i32
          %dma_wait3A_298 = arith.constant 6 : i32
          %dma_wait3A_299 = arith.constant 0 : i32
          %dma_wait3A_300 = arith.constant 0 : i32
          %dma_wait3A_301 = tpu.memref_slice %arg7[%dma_wait3A_298, %dma_wait3A_299, %dma_wait3A_300] : memref<7x128x128xf32, #tpu.memory_space<vmem>> -> memref<1x128x128xf32, #tpu.memory_space<vmem>>
          %dma_wait3A_302 = tpu.memref_squeeze %dma_wait3A_301 : memref<1x128x128xf32, #tpu.memory_space<vmem>> -> memref<128x128xf32, #tpu.memory_space<vmem>>
          %dma_wait3A_303 = arith.constant 0 : i32
          %dma_wait3A_304 = tpu.memref_slice %arg4[%select_n3A_297, %dma_wait3A_303] : memref<100000x128xf32, #tpu.memory_space<hbm>> -> memref<128x128xf32, #tpu.memory_space<hbm>>
          %dma_wait3A_305 = arith.constant 0 : i32
          %dma_wait3A_306 = tpu.memref_slice %arg4[%select_n3A_297, %dma_wait3A_305] : memref<100000x128xf32, #tpu.memory_space<hbm>> -> memref<128x128xf32, #tpu.memory_space<hbm>>
          %dma_wait3A_307 = arith.constant 0 : i32
          %dma_wait3A_308 = arith.constant 0 : i32
          %dma_wait3A_309 = tpu.memref_slice %arg7[%dma_wait3A_298, %dma_wait3A_307, %dma_wait3A_308] : memref<7x128x128xf32, #tpu.memory_space<vmem>> -> memref<1x128x128xf32, #tpu.memory_space<vmem>>
          %dma_wait3A_310 = tpu.memref_squeeze %dma_wait3A_309 : memref<1x128x128xf32, #tpu.memory_space<vmem>> -> memref<128x128xf32, #tpu.memory_space<vmem>>
          tpu.wait_dma2 semaphore(%arg21 : memref<!tpu.dma_semaphore, #tpu.memory_space<semaphore_mem>>) src(%dma_wait3A_310 : memref<128x128xf32, #tpu.memory_space<vmem>>) dst(%dma_wait3A_306 : memref<128x128xf32, #tpu.memory_space<hbm>>)
        } else {
        }
        %add3A_281 = arith.constant 7 : i32
        %add3A_282 = arith.addi %add3A_214, %add3A_281 : i32
        %sub3A_283 = arith.constant 4 : i32
        %sub3A_284 = arith.subi %add3A_282, %sub3A_283 : i32
        %lt3A_285 = arith.constant 25 : i32
        %lt3A_286 = arith.cmpi slt, %sub3A_284, %lt3A_285 : i32
        %convert_element_type3A_287 = arith.extui %lt3A_286 : i1 to i32
        %cond3A_288 = arith.constant 0 : i32
        %cond3A_289 = arith.cmpi ne, %convert_element_type3A_287, %cond3A_288 : i32
        scf.if %cond3A_289 {
          %add3A_290 = arith.constant 7 : i32
          %add3A_291 = arith.addi %add3A_214, %add3A_290 : i32
          %sub3A_292 = arith.constant 4 : i32
          %sub3A_293 = arith.subi %add3A_291, %sub3A_292 : i32
          %mul3A_294 = arith.constant 128 : i32
          %mul3A_295 = arith.muli %sub3A_293, %mul3A_294 : i32
          %dma_start3A_296 = arith.constant 6 : i32
          %dma_start3A_297 = arith.constant 0 : i32
          %dma_start3A_298 = arith.constant 0 : i32
          %dma_start3A_299 = tpu.memref_slice %arg7[%dma_start3A_296, %dma_start3A_297, %dma_start3A_298] : memref<7x128x128xf32, #tpu.memory_space<vmem>> -> memref<1x128x128xf32, #tpu.memory_space<vmem>>
          %dma_start3A_300 = tpu.memref_squeeze %dma_start3A_299 : memref<1x128x128xf32, #tpu.memory_space<vmem>> -> memref<128x128xf32, #tpu.memory_space<vmem>>
          %dma_start3A_301 = tpu.memref_slice %arg6[%mul3A_295] : memref<3200xi32, #tpu.memory_space<vmem>> -> memref<128xi32, #tpu.memory_space<vmem>>
          %dma_start3A_302 = arith.constant 0 : i32
          %dma_start3A_303 = arith.constant 0 : i32
          %dma_start3A_304 = tpu.memref_slice %arg5[%dma_start3A_302, %dma_start3A_303] : memref<119x128xf32, #tpu.memory_space<vmem_shared>> -> memref<119x128xf32, #tpu.memory_space<vmem_shared>>
          tpu.enqueue_indirect_dma source(%dma_start3A_304 : memref<119x128xf32, #tpu.memory_space<vmem_shared>>) target(%dma_start3A_300 : memref<128x128xf32, #tpu.memory_space<vmem>>) offsets(%dma_start3A_301 : memref<128xi32, #tpu.memory_space<vmem>>) semaphore(%arg14 : memref<!tpu.dma_semaphore, #tpu.memory_space<semaphore_mem>>)
        } else {
        }
      } else {
      }
      %mul3A_220 = arith.constant 7 : i32
      %mul3A_221 = arith.muli %mul3A_220, %scan3A_184 : i32
      %add3A_222 = arith.constant 4 : i32
      %add3A_223 = arith.addi %mul3A_221, %add3A_222 : i32
      %lt3A_224 = arith.constant 25 : i32
      %lt3A_225 = arith.cmpi slt, %add3A_223, %lt3A_224 : i32
      %convert_element_type3A_226 = arith.extui %lt3A_225 : i1 to i32
      %cond3A_227 = arith.constant 0 : i32
      %cond3A_228 = arith.cmpi ne, %convert_element_type3A_226, %cond3A_227 : i32
      scf.if %cond3A_228 {
        %mul3A_247 = arith.constant 128 : i32
        %mul3A_248 = arith.muli %add3A_223, %mul3A_247 : i32
        %dma_wait3A_249 = arith.constant 4 : i32
        %dma_wait3A_250 = arith.constant 0 : i32
        %dma_wait3A_251 = arith.constant 0 : i32
        %dma_wait3A_252 = tpu.memref_slice %arg7[%dma_wait3A_249, %dma_wait3A_250, %dma_wait3A_251] : memref<7x128x128xf32, #tpu.memory_space<vmem>> -> memref<1x128x128xf32, #tpu.memory_space<vmem>>
        %dma_wait3A_253 = tpu.memref_squeeze %dma_wait3A_252 : memref<1x128x128xf32, #tpu.memory_space<vmem>> -> memref<128x128xf32, #tpu.memory_space<vmem>>
        %dma_wait3A_254 = tpu.memref_slice %arg6[%mul3A_248] : memref<3200xi32, #tpu.memory_space<vmem>> -> memref<128xi32, #tpu.memory_space<vmem>>
        %dma_wait3A_255 = arith.constant 0 : i32
        %dma_wait3A_256 = arith.constant 0 : i32
        %dma_wait3A_257 = tpu.memref_slice %arg5[%dma_wait3A_255, %dma_wait3A_256] : memref<119x128xf32, #tpu.memory_space<vmem_shared>> -> memref<119x128xf32, #tpu.memory_space<vmem_shared>>
        tpu.wait_indirect_dma semaphore(%arg12 : memref<!tpu.dma_semaphore, #tpu.memory_space<semaphore_mem>>) src(%dma_wait3A_257 : memref<119x128xf32, #tpu.memory_space<vmem_shared>>) dst(%dma_wait3A_253 : memref<128x128xf32, #tpu.memory_space<vmem>>)
        %eq3A_258 = arith.constant 24 : i32
        %eq3A_259 = arith.cmpi eq, %add3A_223, %eq3A_258 : i32
        %mul3A_260 = arith.constant 128 : i32
        %mul3A_261 = arith.muli %add3A_223, %mul3A_260 : i32
        %add3A_262 = arith.addi %mul3A_20, %mul3A_261 : i32
        %select_n3A_263 = arith.select %eq3A_259, %sub3A_55, %add3A_262 : i32
        %dma_start3A_264 = arith.constant 4 : i32
        %dma_start3A_265 = arith.constant 0 : i32
        %dma_start3A_266 = arith.constant 0 : i32
        %dma_start3A_267 = tpu.memref_slice %arg7[%dma_start3A_264, %dma_start3A_265, %dma_start3A_266] : memref<7x128x128xf32, #tpu.memory_space<vmem>> -> memref<1x128x128xf32, #tpu.memory_space<vmem>>
        %dma_start3A_268 = tpu.memref_squeeze %dma_start3A_267 : memref<1x128x128xf32, #tpu.memory_space<vmem>> -> memref<128x128xf32, #tpu.memory_space<vmem>>
        %dma_start3A_269 = arith.constant 0 : i32
        %dma_start3A_270 = tpu.memref_slice %arg4[%select_n3A_263, %dma_start3A_269] : memref<100000x128xf32, #tpu.memory_space<hbm>> -> memref<128x128xf32, #tpu.memory_space<hbm>>
        %dma_start3A_271 = arith.constant 0 : i32
        %dma_start3A_272 = tpu.memref_slice %arg4[%select_n3A_263, %dma_start3A_271] : memref<100000x128xf32, #tpu.memory_space<hbm>> -> memref<128x128xf32, #tpu.memory_space<hbm>>
        %dma_start3A_273 = arith.constant 0 : i32
        %dma_start3A_274 = arith.constant 0 : i32
        %dma_start3A_275 = tpu.memref_slice %arg7[%dma_start3A_264, %dma_start3A_273, %dma_start3A_274] : memref<7x128x128xf32, #tpu.memory_space<vmem>> -> memref<1x128x128xf32, #tpu.memory_space<vmem>>
        %dma_start3A_276 = tpu.memref_squeeze %dma_start3A_275 : memref<1x128x128xf32, #tpu.memory_space<vmem>> -> memref<128x128xf32, #tpu.memory_space<vmem>>
        tpu.enqueue_dma source(%dma_start3A_276 : memref<128x128xf32, #tpu.memory_space<vmem>>) target(%dma_start3A_272 : memref<128x128xf32, #tpu.memory_space<hbm>>) target_semaphore(%arg19 : memref<!tpu.dma_semaphore, #tpu.memory_space<semaphore_mem>>)
        %ge3A = arith.constant 4 : i32
        %ge3A_277 = arith.cmpi sge, %add3A_223, %ge3A : i32
        %convert_element_type3A_278 = arith.extui %ge3A_277 : i1 to i32
        %cond3A_279 = arith.constant 0 : i32
        %cond3A_280 = arith.cmpi ne, %convert_element_type3A_278, %cond3A_279 : i32
        scf.if %cond3A_280 {
          %sub3A_290 = arith.constant 4 : i32
          %sub3A_291 = arith.subi %add3A_223, %sub3A_290 : i32
          %eq3A_292 = arith.constant 24 : i32
          %eq3A_293 = arith.cmpi eq, %sub3A_291, %eq3A_292 : i32
          %mul3A_294 = arith.constant 128 : i32
          %mul3A_295 = arith.muli %sub3A_291, %mul3A_294 : i32
          %add3A_296 = arith.addi %mul3A_20, %mul3A_295 : i32
          %select_n3A_297 = arith.select %eq3A_293, %sub3A_55, %add3A_296 : i32
          %dma_wait3A_298 = arith.constant 0 : i32
          %dma_wait3A_299 = arith.constant 0 : i32
          %dma_wait3A_300 = arith.constant 0 : i32
          %dma_wait3A_301 = tpu.memref_slice %arg7[%dma_wait3A_298, %dma_wait3A_299, %dma_wait3A_300] : memref<7x128x128xf32, #tpu.memory_space<vmem>> -> memref<1x128x128xf32, #tpu.memory_space<vmem>>
          %dma_wait3A_302 = tpu.memref_squeeze %dma_wait3A_301 : memref<1x128x128xf32, #tpu.memory_space<vmem>> -> memref<128x128xf32, #tpu.memory_space<vmem>>
          %dma_wait3A_303 = arith.constant 0 : i32
          %dma_wait3A_304 = tpu.memref_slice %arg4[%select_n3A_297, %dma_wait3A_303] : memref<100000x128xf32, #tpu.memory_space<hbm>> -> memref<128x128xf32, #tpu.memory_space<hbm>>
          %dma_wait3A_305 = arith.constant 0 : i32
          %dma_wait3A_306 = tpu.memref_slice %arg4[%select_n3A_297, %dma_wait3A_305] : memref<100000x128xf32, #tpu.memory_space<hbm>> -> memref<128x128xf32, #tpu.memory_space<hbm>>
          %dma_wait3A_307 = arith.constant 0 : i32
          %dma_wait3A_308 = arith.constant 0 : i32
          %dma_wait3A_309 = tpu.memref_slice %arg7[%dma_wait3A_298, %dma_wait3A_307, %dma_wait3A_308] : memref<7x128x128xf32, #tpu.memory_space<vmem>> -> memref<1x128x128xf32, #tpu.memory_space<vmem>>
          %dma_wait3A_310 = tpu.memref_squeeze %dma_wait3A_309 : memref<1x128x128xf32, #tpu.memory_space<vmem>> -> memref<128x128xf32, #tpu.memory_space<vmem>>
          tpu.wait_dma2 semaphore(%arg15 : memref<!tpu.dma_semaphore, #tpu.memory_space<semaphore_mem>>) src(%dma_wait3A_310 : memref<128x128xf32, #tpu.memory_space<vmem>>) dst(%dma_wait3A_306 : memref<128x128xf32, #tpu.memory_space<hbm>>)
        } else {
        }
        %add3A_281 = arith.constant 7 : i32
        %add3A_282 = arith.addi %add3A_223, %add3A_281 : i32
        %sub3A_283 = arith.constant 4 : i32
        %sub3A_284 = arith.subi %add3A_282, %sub3A_283 : i32
        %lt3A_285 = arith.constant 25 : i32
        %lt3A_286 = arith.cmpi slt, %sub3A_284, %lt3A_285 : i32
        %convert_element_type3A_287 = arith.extui %lt3A_286 : i1 to i32
        %cond3A_288 = arith.constant 0 : i32
        %cond3A_289 = arith.cmpi ne, %convert_element_type3A_287, %cond3A_288 : i32
        scf.if %cond3A_289 {
          %add3A_290 = arith.constant 7 : i32
          %add3A_291 = arith.addi %add3A_223, %add3A_290 : i32
          %sub3A_292 = arith.constant 4 : i32
          %sub3A_293 = arith.subi %add3A_291, %sub3A_292 : i32
          %mul3A_294 = arith.constant 128 : i32
          %mul3A_295 = arith.muli %sub3A_293, %mul3A_294 : i32
          %dma_start3A_296 = arith.constant 0 : i32
          %dma_start3A_297 = arith.constant 0 : i32
          %dma_start3A_298 = arith.constant 0 : i32
          %dma_start3A_299 = tpu.memref_slice %arg7[%dma_start3A_296, %dma_start3A_297, %dma_start3A_298] : memref<7x128x128xf32, #tpu.memory_space<vmem>> -> memref<1x128x128xf32, #tpu.memory_space<vmem>>
          %dma_start3A_300 = tpu.memref_squeeze %dma_start3A_299 : memref<1x128x128xf32, #tpu.memory_space<vmem>> -> memref<128x128xf32, #tpu.memory_space<vmem>>
          %dma_start3A_301 = tpu.memref_slice %arg6[%mul3A_295] : memref<3200xi32, #tpu.memory_space<vmem>> -> memref<128xi32, #tpu.memory_space<vmem>>
          %dma_start3A_302 = arith.constant 0 : i32
          %dma_start3A_303 = arith.constant 0 : i32
          %dma_start3A_304 = tpu.memref_slice %arg5[%dma_start3A_302, %dma_start3A_303] : memref<119x128xf32, #tpu.memory_space<vmem_shared>> -> memref<119x128xf32, #tpu.memory_space<vmem_shared>>
          tpu.enqueue_indirect_dma source(%dma_start3A_304 : memref<119x128xf32, #tpu.memory_space<vmem_shared>>) target(%dma_start3A_300 : memref<128x128xf32, #tpu.memory_space<vmem>>) offsets(%dma_start3A_301 : memref<128xi32, #tpu.memory_space<vmem>>) semaphore(%arg8 : memref<!tpu.dma_semaphore, #tpu.memory_space<semaphore_mem>>)
        } else {
        }
      } else {
      }
      %mul3A_229 = arith.constant 7 : i32
      %mul3A_230 = arith.muli %mul3A_229, %scan3A_184 : i32
      %add3A_231 = arith.constant 5 : i32
      %add3A_232 = arith.addi %mul3A_230, %add3A_231 : i32
      %lt3A_233 = arith.constant 25 : i32
      %lt3A_234 = arith.cmpi slt, %add3A_232, %lt3A_233 : i32
      %convert_element_type3A_235 = arith.extui %lt3A_234 : i1 to i32
      %cond3A_236 = arith.constant 0 : i32
      %cond3A_237 = arith.cmpi ne, %convert_element_type3A_235, %cond3A_236 : i32
      scf.if %cond3A_237 {
        %mul3A_247 = arith.constant 128 : i32
        %mul3A_248 = arith.muli %add3A_232, %mul3A_247 : i32
        %dma_wait3A_249 = arith.constant 5 : i32
        %dma_wait3A_250 = arith.constant 0 : i32
        %dma_wait3A_251 = arith.constant 0 : i32
        %dma_wait3A_252 = tpu.memref_slice %arg7[%dma_wait3A_249, %dma_wait3A_250, %dma_wait3A_251] : memref<7x128x128xf32, #tpu.memory_space<vmem>> -> memref<1x128x128xf32, #tpu.memory_space<vmem>>
        %dma_wait3A_253 = tpu.memref_squeeze %dma_wait3A_252 : memref<1x128x128xf32, #tpu.memory_space<vmem>> -> memref<128x128xf32, #tpu.memory_space<vmem>>
        %dma_wait3A_254 = tpu.memref_slice %arg6[%mul3A_248] : memref<3200xi32, #tpu.memory_space<vmem>> -> memref<128xi32, #tpu.memory_space<vmem>>
        %dma_wait3A_255 = arith.constant 0 : i32
        %dma_wait3A_256 = arith.constant 0 : i32
        %dma_wait3A_257 = tpu.memref_slice %arg5[%dma_wait3A_255, %dma_wait3A_256] : memref<119x128xf32, #tpu.memory_space<vmem_shared>> -> memref<119x128xf32, #tpu.memory_space<vmem_shared>>
        tpu.wait_indirect_dma semaphore(%arg13 : memref<!tpu.dma_semaphore, #tpu.memory_space<semaphore_mem>>) src(%dma_wait3A_257 : memref<119x128xf32, #tpu.memory_space<vmem_shared>>) dst(%dma_wait3A_253 : memref<128x128xf32, #tpu.memory_space<vmem>>)
        %eq3A_258 = arith.constant 24 : i32
        %eq3A_259 = arith.cmpi eq, %add3A_232, %eq3A_258 : i32
        %mul3A_260 = arith.constant 128 : i32
        %mul3A_261 = arith.muli %add3A_232, %mul3A_260 : i32
        %add3A_262 = arith.addi %mul3A_20, %mul3A_261 : i32
        %select_n3A_263 = arith.select %eq3A_259, %sub3A_55, %add3A_262 : i32
        %dma_start3A_264 = arith.constant 5 : i32
        %dma_start3A_265 = arith.constant 0 : i32
        %dma_start3A_266 = arith.constant 0 : i32
        %dma_start3A_267 = tpu.memref_slice %arg7[%dma_start3A_264, %dma_start3A_265, %dma_start3A_266] : memref<7x128x128xf32, #tpu.memory_space<vmem>> -> memref<1x128x128xf32, #tpu.memory_space<vmem>>
        %dma_start3A_268 = tpu.memref_squeeze %dma_start3A_267 : memref<1x128x128xf32, #tpu.memory_space<vmem>> -> memref<128x128xf32, #tpu.memory_space<vmem>>
        %dma_start3A_269 = arith.constant 0 : i32
        %dma_start3A_270 = tpu.memref_slice %arg4[%select_n3A_263, %dma_start3A_269] : memref<100000x128xf32, #tpu.memory_space<hbm>> -> memref<128x128xf32, #tpu.memory_space<hbm>>
        %dma_start3A_271 = arith.constant 0 : i32
        %dma_start3A_272 = tpu.memref_slice %arg4[%select_n3A_263, %dma_start3A_271] : memref<100000x128xf32, #tpu.memory_space<hbm>> -> memref<128x128xf32, #tpu.memory_space<hbm>>
        %dma_start3A_273 = arith.constant 0 : i32
        %dma_start3A_274 = arith.constant 0 : i32
        %dma_start3A_275 = tpu.memref_slice %arg7[%dma_start3A_264, %dma_start3A_273, %dma_start3A_274] : memref<7x128x128xf32, #tpu.memory_space<vmem>> -> memref<1x128x128xf32, #tpu.memory_space<vmem>>
        %dma_start3A_276 = tpu.memref_squeeze %dma_start3A_275 : memref<1x128x128xf32, #tpu.memory_space<vmem>> -> memref<128x128xf32, #tpu.memory_space<vmem>>
        tpu.enqueue_dma source(%dma_start3A_276 : memref<128x128xf32, #tpu.memory_space<vmem>>) target(%dma_start3A_272 : memref<128x128xf32, #tpu.memory_space<hbm>>) target_semaphore(%arg20 : memref<!tpu.dma_semaphore, #tpu.memory_space<semaphore_mem>>)
        %ge3A = arith.constant 4 : i32
        %ge3A_277 = arith.cmpi sge, %add3A_232, %ge3A : i32
        %convert_element_type3A_278 = arith.extui %ge3A_277 : i1 to i32
        %cond3A_279 = arith.constant 0 : i32
        %cond3A_280 = arith.cmpi ne, %convert_element_type3A_278, %cond3A_279 : i32
        scf.if %cond3A_280 {
          %sub3A_290 = arith.constant 4 : i32
          %sub3A_291 = arith.subi %add3A_232, %sub3A_290 : i32
          %eq3A_292 = arith.constant 24 : i32
          %eq3A_293 = arith.cmpi eq, %sub3A_291, %eq3A_292 : i32
          %mul3A_294 = arith.constant 128 : i32
          %mul3A_295 = arith.muli %sub3A_291, %mul3A_294 : i32
          %add3A_296 = arith.addi %mul3A_20, %mul3A_295 : i32
          %select_n3A_297 = arith.select %eq3A_293, %sub3A_55, %add3A_296 : i32
          %dma_wait3A_298 = arith.constant 1 : i32
          %dma_wait3A_299 = arith.constant 0 : i32
          %dma_wait3A_300 = arith.constant 0 : i32
          %dma_wait3A_301 = tpu.memref_slice %arg7[%dma_wait3A_298, %dma_wait3A_299, %dma_wait3A_300] : memref<7x128x128xf32, #tpu.memory_space<vmem>> -> memref<1x128x128xf32, #tpu.memory_space<vmem>>
          %dma_wait3A_302 = tpu.memref_squeeze %dma_wait3A_301 : memref<1x128x128xf32, #tpu.memory_space<vmem>> -> memref<128x128xf32, #tpu.memory_space<vmem>>
          %dma_wait3A_303 = arith.constant 0 : i32
          %dma_wait3A_304 = tpu.memref_slice %arg4[%select_n3A_297, %dma_wait3A_303] : memref<100000x128xf32, #tpu.memory_space<hbm>> -> memref<128x128xf32, #tpu.memory_space<hbm>>
          %dma_wait3A_305 = arith.constant 0 : i32
          %dma_wait3A_306 = tpu.memref_slice %arg4[%select_n3A_297, %dma_wait3A_305] : memref<100000x128xf32, #tpu.memory_space<hbm>> -> memref<128x128xf32, #tpu.memory_space<hbm>>
          %dma_wait3A_307 = arith.constant 0 : i32
          %dma_wait3A_308 = arith.constant 0 : i32
          %dma_wait3A_309 = tpu.memref_slice %arg7[%dma_wait3A_298, %dma_wait3A_307, %dma_wait3A_308] : memref<7x128x128xf32, #tpu.memory_space<vmem>> -> memref<1x128x128xf32, #tpu.memory_space<vmem>>
          %dma_wait3A_310 = tpu.memref_squeeze %dma_wait3A_309 : memref<1x128x128xf32, #tpu.memory_space<vmem>> -> memref<128x128xf32, #tpu.memory_space<vmem>>
          tpu.wait_dma2 semaphore(%arg16 : memref<!tpu.dma_semaphore, #tpu.memory_space<semaphore_mem>>) src(%dma_wait3A_310 : memref<128x128xf32, #tpu.memory_space<vmem>>) dst(%dma_wait3A_306 : memref<128x128xf32, #tpu.memory_space<hbm>>)
        } else {
        }
        %add3A_281 = arith.constant 7 : i32
        %add3A_282 = arith.addi %add3A_232, %add3A_281 : i32
        %sub3A_283 = arith.constant 4 : i32
        %sub3A_284 = arith.subi %add3A_282, %sub3A_283 : i32
        %lt3A_285 = arith.constant 25 : i32
        %lt3A_286 = arith.cmpi slt, %sub3A_284, %lt3A_285 : i32
        %convert_element_type3A_287 = arith.extui %lt3A_286 : i1 to i32
        %cond3A_288 = arith.constant 0 : i32
        %cond3A_289 = arith.cmpi ne, %convert_element_type3A_287, %cond3A_288 : i32
        scf.if %cond3A_289 {
          %add3A_290 = arith.constant 7 : i32
          %add3A_291 = arith.addi %add3A_232, %add3A_290 : i32
          %sub3A_292 = arith.constant 4 : i32
          %sub3A_293 = arith.subi %add3A_291, %sub3A_292 : i32
          %mul3A_294 = arith.constant 128 : i32
          %mul3A_295 = arith.muli %sub3A_293, %mul3A_294 : i32
          %dma_start3A_296 = arith.constant 1 : i32
          %dma_start3A_297 = arith.constant 0 : i32
          %dma_start3A_298 = arith.constant 0 : i32
          %dma_start3A_299 = tpu.memref_slice %arg7[%dma_start3A_296, %dma_start3A_297, %dma_start3A_298] : memref<7x128x128xf32, #tpu.memory_space<vmem>> -> memref<1x128x128xf32, #tpu.memory_space<vmem>>
          %dma_start3A_300 = tpu.memref_squeeze %dma_start3A_299 : memref<1x128x128xf32, #tpu.memory_space<vmem>> -> memref<128x128xf32, #tpu.memory_space<vmem>>
          %dma_start3A_301 = tpu.memref_slice %arg6[%mul3A_295] : memref<3200xi32, #tpu.memory_space<vmem>> -> memref<128xi32, #tpu.memory_space<vmem>>
          %dma_start3A_302 = arith.constant 0 : i32
          %dma_start3A_303 = arith.constant 0 : i32
          %dma_start3A_304 = tpu.memref_slice %arg5[%dma_start3A_302, %dma_start3A_303] : memref<119x128xf32, #tpu.memory_space<vmem_shared>> -> memref<119x128xf32, #tpu.memory_space<vmem_shared>>
          tpu.enqueue_indirect_dma source(%dma_start3A_304 : memref<119x128xf32, #tpu.memory_space<vmem_shared>>) target(%dma_start3A_300 : memref<128x128xf32, #tpu.memory_space<vmem>>) offsets(%dma_start3A_301 : memref<128xi32, #tpu.memory_space<vmem>>) semaphore(%arg9 : memref<!tpu.dma_semaphore, #tpu.memory_space<semaphore_mem>>)
        } else {
        }
      } else {
      }
      %mul3A_238 = arith.constant 7 : i32
      %mul3A_239 = arith.muli %mul3A_238, %scan3A_184 : i32
      %add3A_240 = arith.constant 6 : i32
      %add3A_241 = arith.addi %mul3A_239, %add3A_240 : i32
      %lt3A_242 = arith.constant 25 : i32
      %lt3A_243 = arith.cmpi slt, %add3A_241, %lt3A_242 : i32
      %convert_element_type3A_244 = arith.extui %lt3A_243 : i1 to i32
      %cond3A_245 = arith.constant 0 : i32
      %cond3A_246 = arith.cmpi ne, %convert_element_type3A_244, %cond3A_245 : i32
      scf.if %cond3A_246 {
        %mul3A_247 = arith.constant 128 : i32
        %mul3A_248 = arith.muli %add3A_241, %mul3A_247 : i32
        %dma_wait3A_249 = arith.constant 6 : i32
        %dma_wait3A_250 = arith.constant 0 : i32
        %dma_wait3A_251 = arith.constant 0 : i32
        %dma_wait3A_252 = tpu.memref_slice %arg7[%dma_wait3A_249, %dma_wait3A_250, %dma_wait3A_251] : memref<7x128x128xf32, #tpu.memory_space<vmem>> -> memref<1x128x128xf32, #tpu.memory_space<vmem>>
        %dma_wait3A_253 = tpu.memref_squeeze %dma_wait3A_252 : memref<1x128x128xf32, #tpu.memory_space<vmem>> -> memref<128x128xf32, #tpu.memory_space<vmem>>
        %dma_wait3A_254 = tpu.memref_slice %arg6[%mul3A_248] : memref<3200xi32, #tpu.memory_space<vmem>> -> memref<128xi32, #tpu.memory_space<vmem>>
        %dma_wait3A_255 = arith.constant 0 : i32
        %dma_wait3A_256 = arith.constant 0 : i32
        %dma_wait3A_257 = tpu.memref_slice %arg5[%dma_wait3A_255, %dma_wait3A_256] : memref<119x128xf32, #tpu.memory_space<vmem_shared>> -> memref<119x128xf32, #tpu.memory_space<vmem_shared>>
        tpu.wait_indirect_dma semaphore(%arg14 : memref<!tpu.dma_semaphore, #tpu.memory_space<semaphore_mem>>) src(%dma_wait3A_257 : memref<119x128xf32, #tpu.memory_space<vmem_shared>>) dst(%dma_wait3A_253 : memref<128x128xf32, #tpu.memory_space<vmem>>)
        %eq3A_258 = arith.constant 24 : i32
        %eq3A_259 = arith.cmpi eq, %add3A_241, %eq3A_258 : i32
        %mul3A_260 = arith.constant 128 : i32
        %mul3A_261 = arith.muli %add3A_241, %mul3A_260 : i32
        %add3A_262 = arith.addi %mul3A_20, %mul3A_261 : i32
        %select_n3A_263 = arith.select %eq3A_259, %sub3A_55, %add3A_262 : i32
        %dma_start3A_264 = arith.constant 6 : i32
        %dma_start3A_265 = arith.constant 0 : i32
        %dma_start3A_266 = arith.constant 0 : i32
        %dma_start3A_267 = tpu.memref_slice %arg7[%dma_start3A_264, %dma_start3A_265, %dma_start3A_266] : memref<7x128x128xf32, #tpu.memory_space<vmem>> -> memref<1x128x128xf32, #tpu.memory_space<vmem>>
        %dma_start3A_268 = tpu.memref_squeeze %dma_start3A_267 : memref<1x128x128xf32, #tpu.memory_space<vmem>> -> memref<128x128xf32, #tpu.memory_space<vmem>>
        %dma_start3A_269 = arith.constant 0 : i32
        %dma_start3A_270 = tpu.memref_slice %arg4[%select_n3A_263, %dma_start3A_269] : memref<100000x128xf32, #tpu.memory_space<hbm>> -> memref<128x128xf32, #tpu.memory_space<hbm>>
        %dma_start3A_271 = arith.constant 0 : i32
        %dma_start3A_272 = tpu.memref_slice %arg4[%select_n3A_263, %dma_start3A_271] : memref<100000x128xf32, #tpu.memory_space<hbm>> -> memref<128x128xf32, #tpu.memory_space<hbm>>
        %dma_start3A_273 = arith.constant 0 : i32
        %dma_start3A_274 = arith.constant 0 : i32
        %dma_start3A_275 = tpu.memref_slice %arg7[%dma_start3A_264, %dma_start3A_273, %dma_start3A_274] : memref<7x128x128xf32, #tpu.memory_space<vmem>> -> memref<1x128x128xf32, #tpu.memory_space<vmem>>
        %dma_start3A_276 = tpu.memref_squeeze %dma_start3A_275 : memref<1x128x128xf32, #tpu.memory_space<vmem>> -> memref<128x128xf32, #tpu.memory_space<vmem>>
        tpu.enqueue_dma source(%dma_start3A_276 : memref<128x128xf32, #tpu.memory_space<vmem>>) target(%dma_start3A_272 : memref<128x128xf32, #tpu.memory_space<hbm>>) target_semaphore(%arg21 : memref<!tpu.dma_semaphore, #tpu.memory_space<semaphore_mem>>)
        %ge3A = arith.constant 4 : i32
        %ge3A_277 = arith.cmpi sge, %add3A_241, %ge3A : i32
        %convert_element_type3A_278 = arith.extui %ge3A_277 : i1 to i32
        %cond3A_279 = arith.constant 0 : i32
        %cond3A_280 = arith.cmpi ne, %convert_element_type3A_278, %cond3A_279 : i32
        scf.if %cond3A_280 {
          %sub3A_290 = arith.constant 4 : i32
          %sub3A_291 = arith.subi %add3A_241, %sub3A_290 : i32
          %eq3A_292 = arith.constant 24 : i32
          %eq3A_293 = arith.cmpi eq, %sub3A_291, %eq3A_292 : i32
          %mul3A_294 = arith.constant 128 : i32
          %mul3A_295 = arith.muli %sub3A_291, %mul3A_294 : i32
          %add3A_296 = arith.addi %mul3A_20, %mul3A_295 : i32
          %select_n3A_297 = arith.select %eq3A_293, %sub3A_55, %add3A_296 : i32
          %dma_wait3A_298 = arith.constant 2 : i32
          %dma_wait3A_299 = arith.constant 0 : i32
          %dma_wait3A_300 = arith.constant 0 : i32
          %dma_wait3A_301 = tpu.memref_slice %arg7[%dma_wait3A_298, %dma_wait3A_299, %dma_wait3A_300] : memref<7x128x128xf32, #tpu.memory_space<vmem>> -> memref<1x128x128xf32, #tpu.memory_space<vmem>>
          %dma_wait3A_302 = tpu.memref_squeeze %dma_wait3A_301 : memref<1x128x128xf32, #tpu.memory_space<vmem>> -> memref<128x128xf32, #tpu.memory_space<vmem>>
          %dma_wait3A_303 = arith.constant 0 : i32
          %dma_wait3A_304 = tpu.memref_slice %arg4[%select_n3A_297, %dma_wait3A_303] : memref<100000x128xf32, #tpu.memory_space<hbm>> -> memref<128x128xf32, #tpu.memory_space<hbm>>
          %dma_wait3A_305 = arith.constant 0 : i32
          %dma_wait3A_306 = tpu.memref_slice %arg4[%select_n3A_297, %dma_wait3A_305] : memref<100000x128xf32, #tpu.memory_space<hbm>> -> memref<128x128xf32, #tpu.memory_space<hbm>>
          %dma_wait3A_307 = arith.constant 0 : i32
          %dma_wait3A_308 = arith.constant 0 : i32
          %dma_wait3A_309 = tpu.memref_slice %arg7[%dma_wait3A_298, %dma_wait3A_307, %dma_wait3A_308] : memref<7x128x128xf32, #tpu.memory_space<vmem>> -> memref<1x128x128xf32, #tpu.memory_space<vmem>>
          %dma_wait3A_310 = tpu.memref_squeeze %dma_wait3A_309 : memref<1x128x128xf32, #tpu.memory_space<vmem>> -> memref<128x128xf32, #tpu.memory_space<vmem>>
          tpu.wait_dma2 semaphore(%arg17 : memref<!tpu.dma_semaphore, #tpu.memory_space<semaphore_mem>>) src(%dma_wait3A_310 : memref<128x128xf32, #tpu.memory_space<vmem>>) dst(%dma_wait3A_306 : memref<128x128xf32, #tpu.memory_space<hbm>>)
        } else {
        }
        %add3A_281 = arith.constant 7 : i32
        %add3A_282 = arith.addi %add3A_241, %add3A_281 : i32
        %sub3A_283 = arith.constant 4 : i32
        %sub3A_284 = arith.subi %add3A_282, %sub3A_283 : i32
        %lt3A_285 = arith.constant 25 : i32
        %lt3A_286 = arith.cmpi slt, %sub3A_284, %lt3A_285 : i32
        %convert_element_type3A_287 = arith.extui %lt3A_286 : i1 to i32
        %cond3A_288 = arith.constant 0 : i32
        %cond3A_289 = arith.cmpi ne, %convert_element_type3A_287, %cond3A_288 : i32
        scf.if %cond3A_289 {
          %add3A_290 = arith.constant 7 : i32
          %add3A_291 = arith.addi %add3A_241, %add3A_290 : i32
          %sub3A_292 = arith.constant 4 : i32
          %sub3A_293 = arith.subi %add3A_291, %sub3A_292 : i32
          %mul3A_294 = arith.constant 128 : i32
          %mul3A_295 = arith.muli %sub3A_293, %mul3A_294 : i32
          %dma_start3A_296 = arith.constant 2 : i32
          %dma_start3A_297 = arith.constant 0 : i32
          %dma_start3A_298 = arith.constant 0 : i32
          %dma_start3A_299 = tpu.memref_slice %arg7[%dma_start3A_296, %dma_start3A_297, %dma_start3A_298] : memref<7x128x128xf32, #tpu.memory_space<vmem>> -> memref<1x128x128xf32, #tpu.memory_space<vmem>>
          %dma_start3A_300 = tpu.memref_squeeze %dma_start3A_299 : memref<1x128x128xf32, #tpu.memory_space<vmem>> -> memref<128x128xf32, #tpu.memory_space<vmem>>
          %dma_start3A_301 = tpu.memref_slice %arg6[%mul3A_295] : memref<3200xi32, #tpu.memory_space<vmem>> -> memref<128xi32, #tpu.memory_space<vmem>>
          %dma_start3A_302 = arith.constant 0 : i32
          %dma_start3A_303 = arith.constant 0 : i32
          %dma_start3A_304 = tpu.memref_slice %arg5[%dma_start3A_302, %dma_start3A_303] : memref<119x128xf32, #tpu.memory_space<vmem_shared>> -> memref<119x128xf32, #tpu.memory_space<vmem_shared>>
          tpu.enqueue_indirect_dma source(%dma_start3A_304 : memref<119x128xf32, #tpu.memory_space<vmem_shared>>) target(%dma_start3A_300 : memref<128x128xf32, #tpu.memory_space<vmem>>) offsets(%dma_start3A_301 : memref<128xi32, #tpu.memory_space<vmem>>) semaphore(%arg10 : memref<!tpu.dma_semaphore, #tpu.memory_space<semaphore_mem>>)
        } else {
        }
      } else {
      }
    }
    %scan3A_115 = arith.constant 4 : i32
    %add3A_116 = arith.constant 2688 : i32
    %add3A_117 = arith.addi %mul3A_20, %add3A_116 : i32
    %jit3A_118 = arith.constant false
    %select_n3A_119 = arith.select %jit3A_118, %sub3A_55, %add3A_117 : i32
    %dma_wait3A_120 = arith.constant 0 : i32
    %dma_wait3A_121 = arith.constant 0 : i32
    %dma_wait3A_122 = arith.constant 0 : i32
    %dma_wait3A_123 = tpu.memref_slice %arg7[%dma_wait3A_120, %dma_wait3A_121, %dma_wait3A_122] : memref<7x128x128xf32, #tpu.memory_space<vmem>> -> memref<1x128x128xf32, #tpu.memory_space<vmem>>
    %dma_wait3A_124 = tpu.memref_squeeze %dma_wait3A_123 : memref<1x128x128xf32, #tpu.memory_space<vmem>> -> memref<128x128xf32, #tpu.memory_space<vmem>>
    %dma_wait3A_125 = arith.constant 0 : i32
    %dma_wait3A_126 = tpu.memref_slice %arg4[%select_n3A_119, %dma_wait3A_125] : memref<100000x128xf32, #tpu.memory_space<hbm>> -> memref<128x128xf32, #tpu.memory_space<hbm>>
    %dma_wait3A_127 = arith.constant 0 : i32
    %dma_wait3A_128 = tpu.memref_slice %arg4[%select_n3A_119, %dma_wait3A_127] : memref<100000x128xf32, #tpu.memory_space<hbm>> -> memref<128x128xf32, #tpu.memory_space<hbm>>
    %dma_wait3A_129 = arith.constant 0 : i32
    %dma_wait3A_130 = arith.constant 0 : i32
    %dma_wait3A_131 = tpu.memref_slice %arg7[%dma_wait3A_120, %dma_wait3A_129, %dma_wait3A_130] : memref<7x128x128xf32, #tpu.memory_space<vmem>> -> memref<1x128x128xf32, #tpu.memory_space<vmem>>
    %dma_wait3A_132 = tpu.memref_squeeze %dma_wait3A_131 : memref<1x128x128xf32, #tpu.memory_space<vmem>> -> memref<128x128xf32, #tpu.memory_space<vmem>>
    tpu.wait_dma2 semaphore(%arg15 : memref<!tpu.dma_semaphore, #tpu.memory_space<semaphore_mem>>) src(%dma_wait3A_132 : memref<128x128xf32, #tpu.memory_space<vmem>>) dst(%dma_wait3A_128 : memref<128x128xf32, #tpu.memory_space<hbm>>)
    %add3A_133 = arith.constant 2816 : i32
    %add3A_134 = arith.addi %mul3A_20, %add3A_133 : i32
    %jit3A_135 = arith.constant false
    %select_n3A_136 = arith.select %jit3A_135, %sub3A_55, %add3A_134 : i32
    %dma_wait3A_137 = arith.constant 1 : i32
    %dma_wait3A_138 = arith.constant 0 : i32
    %dma_wait3A_139 = arith.constant 0 : i32
    %dma_wait3A_140 = tpu.memref_slice %arg7[%dma_wait3A_137, %dma_wait3A_138, %dma_wait3A_139] : memref<7x128x128xf32, #tpu.memory_space<vmem>> -> memref<1x128x128xf32, #tpu.memory_space<vmem>>
    %dma_wait3A_141 = tpu.memref_squeeze %dma_wait3A_140 : memref<1x128x128xf32, #tpu.memory_space<vmem>> -> memref<128x128xf32, #tpu.memory_space<vmem>>
    %dma_wait3A_142 = arith.constant 0 : i32
    %dma_wait3A_143 = tpu.memref_slice %arg4[%select_n3A_136, %dma_wait3A_142] : memref<100000x128xf32, #tpu.memory_space<hbm>> -> memref<128x128xf32, #tpu.memory_space<hbm>>
    %dma_wait3A_144 = arith.constant 0 : i32
    %dma_wait3A_145 = tpu.memref_slice %arg4[%select_n3A_136, %dma_wait3A_144] : memref<100000x128xf32, #tpu.memory_space<hbm>> -> memref<128x128xf32, #tpu.memory_space<hbm>>
    %dma_wait3A_146 = arith.constant 0 : i32
    %dma_wait3A_147 = arith.constant 0 : i32
    %dma_wait3A_148 = tpu.memref_slice %arg7[%dma_wait3A_137, %dma_wait3A_146, %dma_wait3A_147] : memref<7x128x128xf32, #tpu.memory_space<vmem>> -> memref<1x128x128xf32, #tpu.memory_space<vmem>>
    %dma_wait3A_149 = tpu.memref_squeeze %dma_wait3A_148 : memref<1x128x128xf32, #tpu.memory_space<vmem>> -> memref<128x128xf32, #tpu.memory_space<vmem>>
    tpu.wait_dma2 semaphore(%arg16 : memref<!tpu.dma_semaphore, #tpu.memory_space<semaphore_mem>>) src(%dma_wait3A_149 : memref<128x128xf32, #tpu.memory_space<vmem>>) dst(%dma_wait3A_145 : memref<128x128xf32, #tpu.memory_space<hbm>>)
    %add3A_150 = arith.constant 2944 : i32
    %add3A_151 = arith.addi %mul3A_20, %add3A_150 : i32
    %jit3A_152 = arith.constant false
    %select_n3A_153 = arith.select %jit3A_152, %sub3A_55, %add3A_151 : i32
    %dma_wait3A_154 = arith.constant 2 : i32
    %dma_wait3A_155 = arith.constant 0 : i32
    %dma_wait3A_156 = arith.constant 0 : i32
    %dma_wait3A_157 = tpu.memref_slice %arg7[%dma_wait3A_154, %dma_wait3A_155, %dma_wait3A_156] : memref<7x128x128xf32, #tpu.memory_space<vmem>> -> memref<1x128x128xf32, #tpu.memory_space<vmem>>
    %dma_wait3A_158 = tpu.memref_squeeze %dma_wait3A_157 : memref<1x128x128xf32, #tpu.memory_space<vmem>> -> memref<128x128xf32, #tpu.memory_space<vmem>>
    %dma_wait3A_159 = arith.constant 0 : i32
    %dma_wait3A_160 = tpu.memref_slice %arg4[%select_n3A_153, %dma_wait3A_159] : memref<100000x128xf32, #tpu.memory_space<hbm>> -> memref<128x128xf32, #tpu.memory_space<hbm>>
    %dma_wait3A_161 = arith.constant 0 : i32
    %dma_wait3A_162 = tpu.memref_slice %arg4[%select_n3A_153, %dma_wait3A_161] : memref<100000x128xf32, #tpu.memory_space<hbm>> -> memref<128x128xf32, #tpu.memory_space<hbm>>
    %dma_wait3A_163 = arith.constant 0 : i32
    %dma_wait3A_164 = arith.constant 0 : i32
    %dma_wait3A_165 = tpu.memref_slice %arg7[%dma_wait3A_154, %dma_wait3A_163, %dma_wait3A_164] : memref<7x128x128xf32, #tpu.memory_space<vmem>> -> memref<1x128x128xf32, #tpu.memory_space<vmem>>
    %dma_wait3A_166 = tpu.memref_squeeze %dma_wait3A_165 : memref<1x128x128xf32, #tpu.memory_space<vmem>> -> memref<128x128xf32, #tpu.memory_space<vmem>>
    tpu.wait_dma2 semaphore(%arg17 : memref<!tpu.dma_semaphore, #tpu.memory_space<semaphore_mem>>) src(%dma_wait3A_166 : memref<128x128xf32, #tpu.memory_space<vmem>>) dst(%dma_wait3A_162 : memref<128x128xf32, #tpu.memory_space<hbm>>)
    %add3A_167 = arith.constant 3072 : i32
    %add3A_168 = arith.addi %mul3A_20, %add3A_167 : i32
    %jit3A_169 = arith.constant true
    %select_n3A_170 = arith.select %jit3A_169, %sub3A_55, %add3A_168 : i32
    %dma_wait3A_171 = arith.constant 3 : i32
    %dma_wait3A_172 = arith.constant 0 : i32
    %dma_wait3A_173 = arith.constant 0 : i32
    %dma_wait3A_174 = tpu.memref_slice %arg7[%dma_wait3A_171, %dma_wait3A_172, %dma_wait3A_173] : memref<7x128x128xf32, #tpu.memory_space<vmem>> -> memref<1x128x128xf32, #tpu.memory_space<vmem>>
    %dma_wait3A_175 = tpu.memref_squeeze %dma_wait3A_174 : memref<1x128x128xf32, #tpu.memory_space<vmem>> -> memref<128x128xf32, #tpu.memory_space<vmem>>
    %dma_wait3A_176 = arith.constant 0 : i32
    %dma_wait3A_177 = tpu.memref_slice %arg4[%select_n3A_170, %dma_wait3A_176] : memref<100000x128xf32, #tpu.memory_space<hbm>> -> memref<128x128xf32, #tpu.memory_space<hbm>>
    %dma_wait3A_178 = arith.constant 0 : i32
    %dma_wait3A_179 = tpu.memref_slice %arg4[%select_n3A_170, %dma_wait3A_178] : memref<100000x128xf32, #tpu.memory_space<hbm>> -> memref<128x128xf32, #tpu.memory_space<hbm>>
    %dma_wait3A_180 = arith.constant 0 : i32
    %dma_wait3A_181 = arith.constant 0 : i32
    %dma_wait3A_182 = tpu.memref_slice %arg7[%dma_wait3A_171, %dma_wait3A_180, %dma_wait3A_181] : memref<7x128x128xf32, #tpu.memory_space<vmem>> -> memref<1x128x128xf32, #tpu.memory_space<vmem>>
    %dma_wait3A_183 = tpu.memref_squeeze %dma_wait3A_182 : memref<1x128x128xf32, #tpu.memory_space<vmem>> -> memref<128x128xf32, #tpu.memory_space<vmem>>
    tpu.wait_dma2 semaphore(%arg18 : memref<!tpu.dma_semaphore, #tpu.memory_space<semaphore_mem>>) src(%dma_wait3A_183 : memref<128x128xf32, #tpu.memory_space<vmem>>) dst(%dma_wait3A_179 : memref<128x128xf32, #tpu.memory_space<hbm>>)
    return
  }
}

</mosaic_0001>

<sc_bundles>
// kernel: kernel.3.cloned.1.call-start
scs
__scs_entry_jumppad:
0x0: {  	(pc) =	sbr.rel $0x88, $3  }
0x1: {  	(tag) =	ssettag $0x0;
	lr =	simm.s32 $0x1  }
0x2: {  	[smem:$0x3F9F] =	sst lr;
	_ =	strace $0xD0000000  }
0x3: {  	_ = 	snop  }
0x4: {  	_ = 	snop  }
0x5: {  	_ = 	snop  }
0x6: {  	_ = 	snop  }
0x7: {  	_ = 	snop  }
__scs_overlays_trampoline_lowered:
0x8: {  	[smem:$0x3FAE] =	sst s0  }
0x9: {  	[smem:$0x3FAF] =	sst s1  }
0xa: {  	[smem:$0x3FB0] =	sst s2  }
0xb: {  	[smem:$0x3FB1] =	sst s3  }
0xc: {  	[smem:$0x3FB2] =	sst s4  }
0xd: {  	[smem:$0x3FB3] =	sst s5  }
0xe: {  	[smem:$0x3FB4] =	sst s6  }
0xf: {  	[smem:$0x3FB5] =	sst s7  }
0x10: {  	[smem:$0x3FB6] =	sst s8  }
0x11: {  	[smem:$0x3FB7] =	sst s9;
	s0 =	simm.s32 @!p0 $0x0  }
0x12: {  	s1 =	sld [smem:$0x3F9D];
	s0 =	simm.s32 @p0 $0x1  }
0x13: {  	[smem:$0x3FB8] =	sst s0;
	s0 =	simm.s32 @!p1 $0x0  }
0x14: {  	s2 =	sld [smem:$0x3F9C];
	s0 =	simm.s32 @p1 $0x1  }
0x15: {  	[smem:$0x3FB9] =	sst s0;
	s0 =	simm.s32 @!p2 $0x0  }
0x16: {  	s3 =	sld [smem:$0x3FDB];
	s0 =	simm.s32 @p2 $0x1  }
0x17: {  	s4 =	simm.s32 $0x1BF5;
	[smem:$0x3FBB] =	sst s0  }
0x18: {  	s0 =	sld [smem:$0x3F9E];
	_ =	swait.ge [sflag:s4], $0x0  }
0x19: {  	s7 =	sld [smem:$0x3F9F]  }
0x1a: {  	s8 =	sadd.s32 $0xFFFFE003, lr  }
0x1b: {  	s9 =	sadd.s32 $0xFFFFFEF7, lr;
	s5 =	simm.s32 $0xFFFFFFFF;
	p2 =	slt.u32 s8, $0xFFFFF086  }
0x1c: {  	p1 =	slt.u32 s9, $0xF7A;
	s5 =	simm.s32 @!p2 $0x0  }
0x1d: {  	s5 =	simm.s32 @p1 $0x1;
	p0 =	seq.s32 s7, s2  }
0x1e: {  	s7 =	smul.u32 @!p0 $0xF7A, s2;
	p2 =	seq.s32 @!p0 s5, $0x0  }
0x1f: {  	s9 =	smul.u32 $0xF7A, s1;
	s8 =	simm.s32 @!p0 $0x1BF5;
	p2 =	por !p2, p0  }
0x20: {  	[sflag:s8] =	ssyncset.s32 @!p0 $0xFFFFF086;
	s6 =	sadd.s32 @!p0 s3, s7;
	s7 =	simm.s32 @!p0 $0x108  }
0x21: {  	s3 =	sadd.s32 s3, s9;
	s6 =	sadd.s32 @!p0 $0x88, s6;
	s7 =	simm.s32 @p2 $0x1082  }
0x22: {  	[simem:s7], [sflag:s8] =	dma.local @!p0 [hbm:s6], $0xF7A  }
0x23: {  	s9 =	sor.u32 $0xD0000000, s2;
	s6 =	simm.s32 $0x108;
	_ =	swait.ge @!p0 [sflag:s8], $0x0  }
0x24: {  	s3 =	sadd.s32 $0x88, s3;
	s6 =	simm.s32 @!p1 $0x1082;
	[sflag:s4] =	ssyncset.s32 $0xFFFFF086  }
0x25: {  	[simem:s6], [sflag:s4] =	dma.local [hbm:s3], $0xF7A  }
0x26: {  	[smem:$0x3F9F] =	sst s1;
	(tag) =	ssettag s2;
	_ =	strace s9  }
0x27: {  	s1 =	sld [smem:$0x3FAF]  }
0x28: {  	s2 =	sld [smem:$0x3FB0]  }
0x29: {  	s4 =	sld [smem:$0x3FB2]  }
0x2a: {  	p0 =	seq.s32 s5, $0x0;
	s5 =	sld [smem:$0x3FB3]  }
0x2b: {  	s6 =	sld [smem:$0x3FB4]  }
0x2c: {  	s7 =	sld [smem:$0x3FB5]  }
0x2d: {  	s3 =	simm.s32 $0x108;
	s8 =	sld [smem:$0x3FB6]  }
0x2e: {  	s3 =	simm.s32 @!p0 $0x1082;
	s9 =	sld [smem:$0x3FB7]  }
0x2f: {  	lr =	sadd.s32 s0, s3;
	s0 =	sld [smem:$0x3FAE]  }
0x30: {  	s3 =	sld [smem:$0x3FB1]  }
0x31: {  	[smem:$0x3FBA] =	sst s10  }
0x32: {  	s10 =	sld [smem:$0x3FB8];
	_ =	sdelay $0x3  }
0x33: {  	p0 =	seq.s32 s10, $0x1;
	s10 =	sld [smem:$0x3FBA];
	_ =	sdelay $0x3  }
0x34: {  	[smem:$0x3FBA] =	sst s10  }
0x35: {  	s10 =	sld [smem:$0x3FB9];
	_ =	sdelay $0x3  }
0x36: {  	p1 =	seq.s32 s10, $0x1;
	s10 =	sld [smem:$0x3FBA];
	_ =	sdelay $0x3  }
0x37: {  	[smem:$0x3FBA] =	sst s10  }
0x38: {  	s10 =	sld [smem:$0x3FBB]  }
0x39: {  	_ = 	snop;
	(pc) =	sbr.ind lr, $3  }
0x3a: {  	_ = 	snop  }
0x3b: {  	_ = 	snop  }
0x3c: {  	p2 =	seq.s32 s10, $0x1;
	s10 =	sld [smem:$0x3FBA]  }
0x3d: {  	_ =	shalt  }
0x3e: {  	_ =	shalt  }
0x3f: {  	_ =	shalt  }
0x40: {  	_ =	shalt  }
0x41: {  	_ =	shalt  }
0x42: {  	_ =	shalt  }
0x43: {  	_ =	shalt  }
0x44: {  	_ =	shalt  }
0x45: {  	_ =	shalt  }
0x46: {  	_ =	shalt  }
0x47: {  	_ =	shalt  }
0x48: {  	_ =	shalt  }
0x49: {  	_ =	shalt  }
0x4a: {  	_ =	shalt  }
0x4b: {  	_ =	shalt  }
0x4c: {  	_ =	shalt  }
0x4d: {  	_ =	shalt  }
0x4e: {  	_ =	shalt  }
0x4f: {  	_ =	shalt  }
0x50: {  	_ =	shalt  }
0x51: {  	_ =	shalt  }
0x52: {  	_ =	shalt  }
0x53: {  	_ =	shalt  }
0x54: {  	_ =	shalt  }
0x55: {  	_ =	shalt  }
0x56: {  	_ =	shalt  }
0x57: {  	_ =	shalt  }
0x58: {  	_ =	shalt  }
0x59: {  	_ =	shalt  }
0x5a: {  	_ =	shalt  }
0x5b: {  	_ =	shalt  }
0x5c: {  	_ =	shalt  }
0x5d: {  	_ =	shalt  }
0x5e: {  	_ =	shalt  }
0x5f: {  	_ =	shalt  }
0x60: {  	_ =	shalt  }
0x61: {  	_ =	shalt  }
0x62: {  	_ =	shalt  }
0x63: {  	_ =	shalt  }
0x64: {  	_ =	shalt  }
0x65: {  	_ =	shalt  }
0x66: {  	_ =	shalt  }
0x67: {  	_ =	shalt  }
0x68: {  	_ =	shalt  }
0x69: {  	_ =	shalt  }
0x6a: {  	_ =	shalt  }
0x6b: {  	_ =	shalt  }
0x6c: {  	_ =	shalt  }
0x6d: {  	_ =	shalt  }
0x6e: {  	_ =	shalt  }
0x6f: {  	_ =	shalt  }
0x70: {  	_ =	shalt  }
0x71: {  	_ =	shalt  }
0x72: {  	_ =	shalt  }
0x73: {  	_ =	shalt  }
0x74: {  	_ =	shalt  }
0x75: {  	_ =	shalt  }
0x76: {  	_ =	shalt  }
0x77: {  	_ =	shalt  }
0x78: {  	_ =	shalt  }
0x79: {  	_ =	shalt  }
0x7a: {  	_ =	shalt  }
0x7b: {  	_ =	shalt  }
0x7c: {  	_ =	shalt  }
0x7d: {  	_ =	shalt  }
0x7e: {  	_ =	shalt  }
0x7f: {  	_ =	shalt  }
0x80: {  	_ =	shalt  }
0x81: {  	_ =	shalt  }
0x82: {  	_ =	shalt  }
0x83: {  	_ =	shalt  }
0x84: {  	_ =	shalt  }
0x85: {  	_ =	shalt  }
0x86: {  	_ =	shalt  }
0x87: {  	_ =	shalt  }
.Lfunc_end0:
.L_simem_size_0:
called_computation_lowered:
.L_overlay_start_0:
0x88: {  	s2 =	sld [smem:$0x3FD9]  }
0x89: {  	s3 =	sld [smem:$0x3FFE];
	_ =	sdelay $0x1  }
0x8a: {  	s1 =	srdreg.scid  }
0x8b: {  	s0 =	sand.u32 $0x1, s1  }
0x8c: {  	s18 =	sshll.u32 s0, $0xA;
	s2 =	sadd.s32 s3, s2  }
0x8d: {  	s2 =	sadd.s32 s2, s18  }
0x8e: {  	[smem:$0x3FC6] =	sst s2  }
0x8f: {  	_ = 	snop  }
0x90: {  	s2 =	sld [smem:$0x3FC9]  }
0x91: {  	s19 =	sld [smem:$0x3FC8]  }
0x92: {  	s4 =	sld [smem:$0x3FD0];
	(tm) =	ssettm $0x1  }
0x93: {  	s5 =	sld [smem:$0x3FFB];
	_ =	sdelay $0x3  }
0x94: {  	_ =	strace s5  }
0x95: {  	s5 =	sld [smem:$0x3FFC];
	_ =	sdelay $0x3  }
0x96: {  	_ =	strace s5  }
0x97: {  	s5 =	sld [smem:$0x3FFD];
	_ =	sdelay $0x3  }
0x98: {  	_ =	strace s5  }
0x99: {  	_ =	strace $0x8FFFFFFF  }
0x9a: {  	s20 =	sld [smem:$0x3FDB];
	_ =	sdelay $0x1  }
0x9b: {  	s6 =	simm.s32 $_scs_section_size  }
0x9c: {  	s7 =	simm.s32 $_size__tile_overlayer_lowered;
	s8 =	simm.s32 $_tile_overlayer_lowered  }
0x9d: {  	s23 =	simm.s32 $0x1BFF;
	s22 =	sshll.u32 s8, $0x1;
	s5 =	sadd.s32 s6, s20  }
0x9e: {  	s9 =	simm.s32 $0x0;
	s21 =	sshll.u32 s7, $0x1;
	s7 =	sadd.s32 s22, s5  }
0x9f: {  	[timem:s9], [sflag:s23] =	dma.local [hbm:s7], s21  }
0xa0: {  	_ =	swait.ge [sflag:s23], s21  }
0xa1: {  	s6 =	ssub.s32 $0x0, s21;
	[sflag:s23] =	ssyncset.done $0x0  }
0xa2: {  	[sflag:s23] =	ssyncadd.s32 s6;
	_ =	sdelay $0x1  }
0xa3: {  	s24 =	simm.s32 $0x1B8B  }
0xa4: {  	_ =	swait.ge [sflag:s24], $0x1  }
0xa5: {  	[sflag:s24] =	ssyncset.done $0x0  }
0xa6: {  	s25 =	simm.s32 $0x1B8E;
	[sflag:s24] =	ssyncadd.s32 $0xFFFFFFFF  }
0xa7: {  	s26 =	simm.s32 $execute0_lowered;
	[smem:$0x3FD2] =	sst s25  }
0xa8: {  	s6 =	sshll.u32 s26, $0x1;
	_ =	strace $0x80000046;
	[dreg:$0x1] =	wrdreg $0xFFFFFFFF  }
0xa9: {  	s28 =	simm.s32 $_size_execute0_lowered;
	s5 =	sadd.s32 s5, s6;
	[dreg:$0x0] =	wrdreg $0x0  }
0xaa: {  	s6 =	sshll.u32 s28, $0x1;
	[dreg:$0x2] =	wrdreg s5  }
0xab: {  	[dreg:$0x3] =	wrdreg s6  }
0xac: {  	[dreg:$0x4] =	wrdreg $0xC0  }
0xad: {  	_ =	task [dreg:s9], $0x5FFFF  }
0xae: {  	[dreg:$0x1] =	wrdreg $0xFFFFFFFF  }
0xaf: {  	[dreg:$0x0] =	wrdreg $0x60  }
0xb0: {  	[dreg:$0x2] =	wrdreg s2  }
0xb1: {  	[dreg:$0x3] =	wrdreg s19  }
0xb2: {  	[dreg:$0x4] =	wrdreg s4  }
0xb3: {  	[dreg:$0x5] =	wrdreg $0x0  }
0xb4: {  	[dreg:$0x6] =	wrdreg $0x9  }
0xb5: {  	_ =	task.clear_ibuf [dreg:s9], $0x7FFFF;
	_ =	strace $0x90000046  }
0xb6: {  	s29 =	simm.s32 $0x9;
	_ =	strace $0x80000048  }
0xb7: {  	_ =	swait.ge [sflag:s29], $0x1  }
0xb8: {  	[sflag:s29] =	ssyncadd.s32 $0xFFFFFFFF  }
0xb9: {  	_ =	strace $0x90000048  }
0xba: {  	_ =	sfence  }
0xbb: {  	s30 =	sld [smem:$0x0];
	_ =	sdelay $0x2  }
0xbc: {  	s31 =	sshll.u32 s1, $0xD;
	s1 =	sshrl.u32 s1, $0x2  }
0xbd: {  	s3 =	sand.u32 $0x4000, s31;
	s1 =	sadd.s32 s1, s30  }
0xbe: {  	s0 =	sor.u32 s3, s0;
	s1 =	sshll.u32 s1, $0x11  }
0xbf: {  	s0 =	sor.u32 s1, s0  }
0xc0: {  	s0 =	sadd.s32 $0x8F2B, s0  }
0xc1: {  	[sflag:s0] =	ssyncadd.remote.s32 $0x1  }
0xc2: {  	_ =	sfence.sel $0xFFFF  }
0xc3: {  	[dreg:$0x0] =	wrdreg $0xFFFFFFFF;
	(pc) =	sbr.abs _section_cstart, $3  }
0xc4: {  	[dreg:$0x1] =	wrdreg $0xFFFFFFFF  }
0xc5: {  	_ =	task.clear_ibuf [dreg:s9], $0x2FFFF;
	_ =	strace $0x9FFFFFFF  }
0xc6: {  	(tm) =	ssettm $0x7FFFFFFF  }
0xc7: {  	_ =	shalt  }
tec
execute0_lowered:
.L_overlay_start_1:
0x0: {  	(tag) =	ssettag $0x1  }
0x1: {  	s0 =	rddreg [dreg:$0x0];
	s1 =	srdreg.scid  }
0x2: {  	s6 =	stileid.u32;
	s2 =	rddreg [dreg:$0x2]  }
0x3: {  	s3 =	rddreg [dreg:$0x3];
	s14 =	simm.s32 $0xF;
	s15 =	simm.s32 $0x80  }
0x4: {  	s16 =	simm.s32 $0x1038;
	s18 =	simm.s32 $0x5038;
	s20 =	simm.s32 $0x9038  }
0x5: {  	s21 =	simm.s32 $0x1;
	s28 =	simm.s32 $0x9;
	s29 =	simm.s32 $0xA  }
0x6: {  	s30 =	simm.s32 $0xB;
	s31 =	simm.s32 $0x19038;
	s12 =	simm.s32 $0x6  }
0x7: {  	s17 =	simm.s32 $0x15038;
	s1 =	sand.u32 $0x1, s1;
	s4 =	sshll.u32 s6, $0x1  }
0x8: {  	s19 =	simm.s32 $0x7;
	s9 =	smul.u32 $0x186A, s6;
	s5 =	sor.u32 s1, s4  }
0x9: {  	s4 =	simm.s32 $0x0;
	s8 =	ssub.s32 $0x2, s1;
	s1 =	smul.u32 $0xC35, s1  }
0xa: {  	s7 =	smul.u32 $0xC35, s5;
	[smem:$0x7FF] =	sst s4;
	s10 =	sshrl.u32 s8, $0x1  }
0xb: {  	p0 =	seq.s32 s5, $0x1F;
	_ =	strace $0x80000047;
	s8 =	ssub.s32 s8, s10  }
0xc: {  	s1 =	sadd.s32 s1, s9;
	s11 =	sadd.s32 $0xC35, s7;
	s7 =	sshrl.u32 s7, $0x3  }
0xd: {  	s9 =	sshll.u32 s1, $0x4;
	s1 =	sand.u32 $0x3FFF8, s1;
	s25 =	smax.u32 s8, $0x1  }
0xe: {  	s22 =	sand.u32 $0x3FFF8, s11;
	s7 =	sadd.s32 s0, s7;
	s9 =	sand.u32 $0x3FFF80, s9  }
0xf: {  	[dreg:$0x7] =	wrdreg s25;
	s26 =	sadd.s32 $0x300, s1;
	s25 =	simm.s32 $0x4  }
0x10: {  	s1 =	simm.s32 $0x5;
	s5 =	sadd.s32 $0xFFFFFF80, s22;
	[dreg:$0x5] =	wrdreg s7  }
0x11: {  	s24 =	sadd.s32 s9, s2;
	[dreg:$0x9] =	wrdreg s26;
	s5 =	simm.s32 @p0 $0x18620  }
.Ltmp0:
0x12: {  	s22 =	simm.s32 $0xD038;
	s23 =	sshrl.u32 s5, $0x3;
	(pc) =	sbr.rel .LBB2_1-.Ltmp0, $4  }
0x13: {  	s26 =	simm.s32 $0x8;
	p0 =	sne.s32 s6, $0x0;
	s0 =	sadd.s32 s0, s23  }
0x14: {  	s6 =	simm.s32 $0x0;
	[dreg:$0x6] =	wrdreg s0;
	s0 =	sadd.s32 $0x1000, s24  }
0x15: {  	s23 =	simm.s32 $0x2;
	[dreg:$0x8] =	wrdreg s0;
	s0 =	sshrl.u32 @!p0 s3, $0x3  }
0x16: {  	s24 =	simm.s32 $0x3;
	[dreg:$0xa] =	wrdreg s0;
	s0 =	simm.s32 $0x11038  }
.LBB2_4:
0x17: {  	_ =	swait.ge [sflag:s26], $0x4000  }
0x18: {  	[sflag:s26] =	ssyncset.done $0x0  }
0x19: {  	[sflag:s26] =	ssyncadd.s32 $0xFFFFC000  }
0x1a: {  	_ =	swait.ge [sflag:s28], $0x4000  }
0x1b: {  	[sflag:s28] =	ssyncset.done $0x0  }
0x1c: {  	[sflag:s28] =	ssyncadd.s32 $0xFFFFC000  }
0x1d: {  	_ =	swait.ge [sflag:s29], $0x4000  }
0x1e: {  	[sflag:s29] =	ssyncset.done $0x0  }
0x1f: {  	[sflag:s29] =	ssyncadd.s32 $0xFFFFC000  }
0x20: {  	_ =	swait.ge [sflag:s30], $0x4000  }
0x21: {  	s6 =	sadd.s32 $0x1, s6;
	s7 =	rddreg [dreg:$0x7]  }
0x22: {  	p1 =	sne.s32 s6, s7  }
.Ltmp1:
0x23: {  	_ = 	snop;
	(pc) =	sbr.rel @!p1 .LBB2_5-.Ltmp1, $3  }
0x24: {  	_ =	sdelay $0x1  }
0x25: {  	[sflag:s30] =	ssyncset.done $0x0  }
0x26: {  	[sflag:s30] =	ssyncadd.s32 $0xFFFFC000  }
.LBB2_1:
0x27: {  	s7 =	rddreg [dreg:$0x5];
	s9 =	simm.s32 $0x3B8  }
0x28: {  	[tilespmem:s9], [sflag:$0xF] =	stream.linear.gather [hbm4b:s7+s4], $0xC00, $0x38;
	[tilespmem:$0x1D038] =	vst v63  }
0x29: {  	s10 =	rddreg [dreg:$0x6];
	s8 =	simm.s32 $0xFB8  }
0x2a: {  	[tilespmem:s8], [sflag:$0xF] =	stream.linear.gather [hbm4b:s10+s4], $0x80, $0x38;
	[tilespmem:$0x1D038] =	vst v63  }
0x2b: {  	s8 =	rddreg [dreg:$0x1]  }
0x2c: {  	s7 =	simm.s32 @!p0 $0x1C10;
	s10 =	rddreg [dreg:$0xa]  }
0x2d: {  	[spmem:s10], [sflag:s7] =	dma.local @!p0 [hbm:s8], $0x770  }
0x2e: {  	s7 =	simm.s32 @!p0 $0x10  }
0x2f: {  	_ =	swait.ge @!p0 [sflag:s7], $0x770  }
0x30: {  	[sflag:s7] =	ssyncset.done @!p0 $0x0  }
0x31: {  	[sflag:s7] =	ssyncadd.s32 @!p0 $0xFFFFF890  }
0x32: {  	_ =	swait.ge [sflag:s14], $0xC00  }
0x33: {  	[sflag:s14] =	ssyncset.done $0x0  }
0x34: {  	[sflag:s14] =	ssyncadd.s32 $0xFFFFF400  }
0x35: {  	_ =	swait.ge [sflag:s14], $0x80  }
0x36: {  	[sflag:s14] =	ssyncset.done $0x0  }
0x37: {  	[sflag:s14] =	ssyncadd.s32 $0xFFFFFF80  }
0x38: {  	s11 =	simm.s32 $0x438;
	[bflag:$0x0] =	sbarrier.arrive $0xFFFF  }
0x39: {  	[tilespmem:s16], [sflag:$0x1] =	stream.indirect.gather [spmem:s3], $0x80, s9, s15, $0xb8;
	[tilespmem:$0x1D038] =	vst v63  }
0x3a: {  	s13 =	simm.s32 $0x4B8;
	s8 =	simm.s32 $0x838;
	s10 =	rddreg [dreg:$0x9]  }
0x3b: {  	[tilespmem:s18], [sflag:$0x2] =	stream.indirect.gather [spmem:s3], $0x80, s11, s15, $0xb8;
	[tilespmem:$0x1D038] =	vst v63  }
0x3c: {  	s7 =	simm.s32 $0x12;
	s9 =	rddreg [dreg:$0x8];
	s11 =	simm.s32 $0x3  }
0x3d: {  	[tilespmem:s20], [sflag:$0x3] =	stream.indirect.gather [spmem:s3], $0x80, s13, s15, $0xb8;
	[tilespmem:$0x1D038] =	vst v63  }
.LBB2_2:
0x3e: {  	_ =	swait.ge [sflag:s21], $0x4000  }
0x3f: {  	[sflag:s21] =	ssyncset.done $0x0  }
0x40: {  	s13 =	sadd.s32 $0xFFFFF000, s9;
	p1 =	seq.s32 s11, $0x3;
	[sflag:s21] =	ssyncadd.s32 $0xFFFFC000  }
0x41: {  	[hbm4b:s13+s4] =	stream.linear.scatter [tilespmem:s16], [sflag:$0x8], $0x4000, $0x38;
	[tilespmem:$0x1D038] =	vst v63  }
0x42: {  	s13 =	simm.s32 @!p1 $0xB  }
0x43: {  	_ =	swait.ge @!p1 [sflag:s13], $0x4000  }
0x44: {  	[sflag:s13] =	ssyncset.done @!p1 $0x0  }
0x45: {  	[sflag:s13] =	ssyncadd.s32 @!p1 $0xFFFFC000;
	s13 =	sadd.s32 $0xFFFFFD00, s8  }
0x46: {  	[tilespmem:s22], [sflag:$0x4] =	stream.indirect.gather [spmem:s3], $0x80, s13, s15, $0xb8;
	[tilespmem:$0x1D038] =	vst v63  }
0x47: {  	_ =	swait.ge [sflag:s23], $0x4000  }
0x48: {  	[sflag:s23] =	ssyncset.done $0x0  }
0x49: {  	s13 =	sadd.s32 $0xFFFFF800, s9;
	[sflag:s23] =	ssyncadd.s32 $0xFFFFC000  }
0x4a: {  	[hbm4b:s13+s4] =	stream.linear.scatter [tilespmem:s18], [sflag:$0x9], $0x4000, $0x38;
	[tilespmem:$0x1D038] =	vst v63  }
0x4b: {  	s13 =	simm.s32 @!p1 $0xC  }
0x4c: {  	p2 =	seq.s32 @!p1 s11, $0x0;
	_ =	swait.ge @!p1 [sflag:s13], $0x4000  }
0x4d: {  	p2 =	por p1, !p2;
	[sflag:s13] =	ssyncset.done @!p1 $0x0  }
0x4e: {  	[sflag:s13] =	ssyncadd.s32 @!p1 $0xFFFFC000;
	s13 =	sadd.s32 @p2 $0xFFFFFD80, s8  }
0x4f: {  	[tilespmem:s0], [sflag:$0x5] =	stream.indirect.gather @p2 [spmem:s3], $0x80, s13, s15, $0xb8;
	[tilespmem:$0x1D038] =	vst v63  }
0x50: {  	_ =	swait.ge [sflag:s24], $0x4000  }
0x51: {  	[sflag:s24] =	ssyncset.done $0x0  }
0x52: {  	s13 =	simm.s32 @!p1 $0xD;
	[sflag:s24] =	ssyncadd.s32 $0xFFFFC000  }
0x53: {  	[hbm4b:s9+s4] =	stream.linear.scatter [tilespmem:s20], [sflag:$0xA], $0x4000, $0x38;
	[tilespmem:$0x1D038] =	vst v63  }
0x54: {  	_ =	swait.ge @!p1 [sflag:s13], $0x4000  }
0x55: {  	[sflag:s13] =	ssyncset.done @!p1 $0x0  }
0x56: {  	[sflag:s13] =	ssyncadd.s32 @!p1 $0xFFFFC000;
	s13 =	sadd.s32 @p2 $0xFFFFFE00, s8  }
0x57: {  	[tilespmem:s17], [sflag:$0x6] =	stream.indirect.gather @p2 [spmem:s3], $0x80, s13, s15, $0xb8;
	[tilespmem:$0x1D038] =	vst v63  }
0x58: {  	p3 =	seq.s32 s7, $0xFFFFFFFD;
	s13 =	sadd.s32 $0xFFFFFE80, s10  }
0x59: {  	_ =	swait.ge [sflag:s25], $0x4000;
	s13 =	smov.u32 @p3 s5  }
0x5a: {  	[sflag:s25] =	ssyncset.done $0x0;
	s13 =	sshll.u32 s13, $0x4  }
0x5b: {  	[sflag:s25] =	ssyncadd.s32 $0xFFFFC000;
	s13 =	sadd.s32 s2, s13  }
0x5c: {  	[hbm4b:s13+s4] =	stream.linear.scatter [tilespmem:s22], [sflag:$0xB], $0x4000, $0x38;
	[tilespmem:$0x1D038] =	vst v63  }
.Ltmp2:
0x5d: {  	_ = 	snop;
	(pc) =	sbr.rel @!p2 .LBB2_4-.Ltmp2, $4  }
0x5e: {  	s13 =	simm.s32 @!p1 $0xE  }
0x5f: {  	_ =	swait.ge @!p1 [sflag:s13], $0x4000  }
0x60: {  	[sflag:s13] =	ssyncset.done @!p1 $0x0  }
0x61: {  	[sflag:s13] =	ssyncadd.s32 @!p1 $0xFFFFC000  }
0x62: {  	s13 =	sadd.s32 $0xFFFFFE80, s8  }
0x63: {  	[tilespmem:s31], [sflag:$0x7] =	stream.indirect.gather [spmem:s3], $0x80, s13, s15, $0xb8;
	[tilespmem:$0x1D038] =	vst v63  }
0x64: {  	p1 =	seq.s32 s7, $0xFFFFFFFE;
	s13 =	sadd.s32 $0xFFFFFF00, s10  }
0x65: {  	_ =	swait.ge [sflag:s1], $0x4000;
	s13 =	smov.u32 @p1 s5  }
0x66: {  	[sflag:s1] =	ssyncset.done $0x0;
	s13 =	sshll.u32 s13, $0x4  }
0x67: {  	[sflag:s1] =	ssyncadd.s32 $0xFFFFC000;
	s13 =	sadd.s32 s2, s13  }
0x68: {  	[hbm4b:s13+s4] =	stream.linear.scatter [tilespmem:s0], [sflag:$0xC], $0x4000, $0x38;
	[tilespmem:$0x1D038] =	vst v63  }
0x69: {  	_ =	swait.ge [sflag:s26], $0x4000  }
0x6a: {  	[sflag:s26] =	ssyncset.done $0x0  }
0x6b: {  	s13 =	sadd.s32 $0xFFFFFF00, s8;
	[sflag:s26] =	ssyncadd.s32 $0xFFFFC000  }
0x6c: {  	[tilespmem:s16], [sflag:$0x1] =	stream.indirect.gather [spmem:s3], $0x80, s13, s15, $0xb8;
	[tilespmem:$0x1D038] =	vst v63  }
0x6d: {  	p1 =	seq.s32 s7, $0xFFFFFFFF;
	s13 =	sadd.s32 $0xFFFFFF80, s10  }
0x6e: {  	_ =	swait.ge [sflag:s12], $0x4000;
	s13 =	smov.u32 @p1 s5  }
0x6f: {  	[sflag:s12] =	ssyncset.done $0x0;
	s13 =	sshll.u32 s13, $0x4  }
0x70: {  	[sflag:s12] =	ssyncadd.s32 $0xFFFFC000;
	s13 =	sadd.s32 s2, s13  }
0x71: {  	[hbm4b:s13+s4] =	stream.linear.scatter [tilespmem:s17], [sflag:$0xD], $0x4000, $0x38;
	[tilespmem:$0x1D038] =	vst v63  }
0x72: {  	_ =	swait.ge [sflag:s28], $0x4000  }
0x73: {  	[sflag:s28] =	ssyncset.done $0x0  }
0x74: {  	s13 =	sadd.s32 $0xFFFFFF80, s8;
	[sflag:s28] =	ssyncadd.s32 $0xFFFFC000  }
0x75: {  	[tilespmem:s18], [sflag:$0x2] =	stream.indirect.gather [spmem:s3], $0x80, s13, s15, $0xb8;
	[tilespmem:$0x1D038] =	vst v63  }
0x76: {  	p1 =	seq.s32 s7, $0x0;
	s13 =	smov.u32 s10  }
0x77: {  	_ =	swait.ge [sflag:s19], $0x4000;
	s13 =	smov.u32 @p1 s5  }
0x78: {  	[sflag:s19] =	ssyncset.done $0x0;
	s13 =	sshll.u32 s13, $0x4  }
0x79: {  	[sflag:s19] =	ssyncadd.s32 $0xFFFFC000;
	s13 =	sadd.s32 s2, s13  }
0x7a: {  	[hbm4b:s13+s4] =	stream.linear.scatter [tilespmem:s31], [sflag:$0xE], $0x4000, $0x38;
	[tilespmem:$0x1D038] =	vst v63  }
.Ltmp3:
0x7b: {  	_ =	swait.ge [sflag:s29], $0x4000;
	(pc) =	sbr.rel .LBB2_2-.Ltmp3, $4  }
0x7c: {  	[sflag:s29] =	ssyncset.done $0x0  }
0x7d: {  	s11 =	sadd.s32 $0xFFFFFFFF, s11;
	s9 =	sadd.s32 $0x3800, s9;
	[sflag:s29] =	ssyncadd.s32 $0xFFFFC000  }
0x7e: {  	[tilespmem:s20], [sflag:$0x3] =	stream.indirect.gather [spmem:s3], $0x80, s8, s15, $0xb8;
	[tilespmem:$0x1D038] =	vst v63  }
0x7f: {  	s7 =	sadd.s32 $0xFFFFFFF9, s7;
	s10 =	sadd.s32 $0x380, s10;
	s8 =	sadd.s32 $0x380, s8  }
.LBB2_5:
0x80: {  	_ =	sfence.sel $0x180000  }
0x81: {  	[bflag:$0x0] =	sbarrier.arrive $0xFFFF  }
0x82: {  	_ =	strace $0x90000047  }
0x83: {  	[bflag:$0x2] =	sbarrier.arrive $0xFFFF  }
0x84: {  	s0 =	rddreg [dreg:$0x4]  }
0x85: {  	s0 =	sadd.s32 @!p0 $0x100000, s0  }
0x86: {  	[sflag:s0] =	ssyncadd.tile.s32 @!p0 $0x1;
	_ =	shalt  }
.Lfunc_end2:
_tile_overlayer_lowered:
.L_overlay_start_2:
0x87: {  	(tag) =	ssettag $0x2  }
0x88: {  	s0 =	rddreg [dreg:$0x0];
	s2 =	stileid.u32  }
0x89: {  	s1 =	rddreg [dreg:$0x1];
	p0 =	sne.s32 s2, $0x0  }
0x8a: {  	s3 =	rddreg [dreg:$0x2];
	[bflag:$0x3] =	sbarrier.arrive $0xFFFF;
	s2 =	simm.s32 @!p0 $0x1C10  }
0x8b: {  	[timem:s3], [sflag:s2] =	dma.local @!p0 [hbm:s0], s1  }
0x8c: {  	s0 =	simm.s32 @!p0 $0x10  }
0x8d: {  	_ =	swait.ge @!p0 [sflag:s0], s1  }
0x8e: {  	s1 =	ssub.s32 @!p0 $0x0, s1;
	[sflag:s0] =	ssyncset.done @!p0 $0x0  }
0x8f: {  	[sflag:s0] =	ssyncadd.s32 @!p0 s1  }
0x90: {  	[bflag:$0x3] =	sbarrier.arrive $0xFFFF  }
0x91: {  	_ =	shalt  }

</sc_bundles>
